<compile_context>
chip_gen: v7x
topology: tpu7x:2x2x1
jax: 0.10.2.dev20260603
libtpu: 0.0.44.dev20260713+nightly
codegen_flags: <defaults>
</compile_context>

<pallas_src>
import functools

import jax
import jax.numpy as jnp
from jax import lax
from jax.experimental import pallas as pl
from jax.experimental.pallas import tpu as pltpu
from jax.experimental.pallas import tpu_sc as plsc

_NC = 2
_NS = 16
_NW = _NC * _NS


def _sc_gather(n_tot: int, d: int, ch: int):
    n_per_w = n_tot // _NW
    nch = n_per_w // ch
    mesh = plsc.VectorSubcoreMesh(core_axis_name="c", subcore_axis_name="s")

    @functools.partial(
        pl.kernel,
        mesh=mesh,
        compiler_params=pltpu.CompilerParams(use_tc_tiling_on_sc=False),
        out_type=jax.ShapeDtypeStruct((n_tot, d), jnp.float32),
        scratch_types=[
            pltpu.VMEM((n_per_w,), jnp.int32),
            pltpu.VMEM((ch, d), jnp.float32),
            pltpu.VMEM((ch, d), jnp.float32),
            pltpu.SemaphoreType.DMA,
            pltpu.SemaphoreType.DMA,
            pltpu.SemaphoreType.DMA,
            pltpu.SemaphoreType.DMA,
        ],
    )
    def k(idx_hbm, table_hbm, out_hbm, idx_v, rows0, rows1, g0, g1, w0, w1):
        wid = lax.axis_index("s") * _NC + lax.axis_index("c")
        base = wid * n_per_w
        pltpu.sync_copy(idx_hbm.at[pl.ds(base, n_per_w)], idx_v)
        bufs = (rows0, rows1)
        gsem = (g0, g1)
        wsem = (w0, w1)

        def gather_start(c):
            idx_c = idx_v.at[pl.ds(c * ch, ch)]
            pltpu.async_copy(table_hbm.at[idx_c], bufs[c % 2], gsem[c % 2])

        def write_start(c):
            pltpu.async_copy(
                bufs[c % 2], out_hbm.at[pl.ds(base + c * ch, ch)], wsem[c % 2]
            )

        gather_start(0)
        for c in range(nch):
            pltpu.make_async_copy(
                table_hbm.at[idx_v.at[pl.ds(c * ch, ch)]], bufs[c % 2], gsem[c % 2]
            ).wait()
            write_start(c)
            if c + 1 < nch:
                if c >= 1:
                    pltpu.make_async_copy(
                        bufs[(c + 1) % 2],
                        out_hbm.at[pl.ds(base + (c - 1) * ch, ch)],
                        wsem[(c + 1) % 2],
                    ).wait()
                gather_start(c + 1)
        pltpu.make_async_copy(
            bufs[(nch - 1) % 2],
            out_hbm.at[pl.ds(base + (nch - 1) * ch, ch)],
            wsem[(nch - 1) % 2],
        ).wait()
        if nch >= 2:
            pltpu.make_async_copy(
                bufs[(nch - 2) % 2],
                out_hbm.at[pl.ds(base + (nch - 2) * ch, ch)],
                wsem[(nch - 2) % 2],
            ).wait()

    return k


def _tc_head(bx: int, tx: int, d: int, v: int, g: int):
    nblk = bx // g

    def body(tok_ref, pos_ref, w_ref, b_ref, out_ref):
        w = w_ref[...]
        bias = b_ref[...]
        pos = pos_ref[...]
        for j in range(g):
            h = tok_ref[pl.ds(j * tx, tx), :] + pos
            out_ref[j] = (
                jnp.dot(h, w, preferred_element_type=jnp.float32) + bias
            )

    return pl.pallas_call(
        body,
        grid=(nblk,),
        in_specs=[
            pl.BlockSpec((g * tx, d), lambda i: (i, 0)),
            pl.BlockSpec((tx, d), lambda i: (0, 0)),
            pl.BlockSpec((d, v), lambda i: (0, 0)),
            pl.BlockSpec((1, v), lambda i: (0, 0)),
        ],
        out_specs=pl.BlockSpec((g, tx, v), lambda i: (i, 0, 0)),
        out_shape=jax.ShapeDtypeStruct((bx, tx, v), jnp.float32),
    )


def kernel(x, tok_table, pos_table, W, b):
    bx, tx = x.shape
    vocab, d = tok_table.shape
    n_tot = bx * tx
    idx = x.reshape(n_tot).astype(jnp.int32)
    tok_emb = _sc_gather(n_tot, d, ch=1600)(idx, tok_table)

    return _tc_head(bx, tx, d, vocab, g=32)(
        tok_emb, pos_table, W, b.reshape(1, vocab)
    )

# --- scband reference (transcript-rebuilt; emitter-appended) ---
"""Pipeline reference for scband-bigram-language-model-51848845197637 (READ-ONLY COPY).

The authoritative reference and input builder live on the scoring server;
editing this copy changes nothing except your own understanding.
"""

import jax, jax.numpy as jnp
import numpy as np

VOCAB = 1000
BLOCK = 50
D = 32
B = 4096
T = 50

def setup_inputs(seed: int = 0) -> dict:
    key = jax.random.key(seed)
    k1, k2, k3, k4, k5 = jax.random.split(key, 5)
    x = jax.random.randint(k1, (B, T), 0, VOCAB, dtype=jnp.int64) if jax.config.jax_enable_x64 else jax.random.randint(k1, (B, T), 0, VOCAB, dtype=jnp.int32)
    tok_table = jax.random.normal(k2, (VOCAB, D), dtype=jnp.float32) * 0.02
    pos_table = jax.random.normal(k3, (BLOCK, D), dtype=jnp.float32) * 0.02
    W = jax.random.normal(k4, (D, VOCAB), dtype=jnp.float32) * (1.0 / np.sqrt(D))
    b = jnp.zeros((VOCAB,), dtype=jnp.float32)
    return {"x": x, "tok_table": tok_table, "pos_table": pos_table, "W": W, "b": b}

def reference(x, tok_table, pos_table, W, b):
    Bx, Tx = x.shape
    tok_emb = jnp.take(tok_table, x, axis=0)            # [B, T, D] gather
    pos_emb = jnp.take(pos_table, jnp.arange(Tx), axis=0)  # [T, D]
    h = tok_emb + pos_emb[None, :, :]
    logits = jnp.einsum('btd,dv->btv', h, W) + b
    return logits

if __name__ == "__main__":
    import jax
    _d = setup_inputs()
    print(jax.jit(kernel)(*tuple(_d.values())))

</pallas_src>

<mosaic_0001>
#map = affine_map<(d0, d1) -> (0)>
#map1 = affine_map<(d0, d1) -> (0, 0)>
module attributes {stable_mosaic.version = 14 : i64} {
  func.func @k(%arg0: i32, %arg1: i32, %arg2: memref<204800xi32, #tpu.memory_space<hbm>>, %arg3: memref<1000x32xf32, #tpu.memory_space<hbm>>, %arg4: memref<204800x32xf32, #tpu.memory_space<hbm>>, %arg5: memref<6400xi32, #tpu.memory_space<vmem>>, %arg6: memref<1600x32xf32, #tpu.memory_space<vmem>>, %arg7: memref<1600x32xf32, #tpu.memory_space<vmem>>, %arg8: memref<!tpu.dma_semaphore, #tpu.memory_space<semaphore_mem>>, %arg9: memref<!tpu.dma_semaphore, #tpu.memory_space<semaphore_mem>>, %arg10: memref<!tpu.dma_semaphore, #tpu.memory_space<semaphore_mem>>, %arg11: memref<!tpu.dma_semaphore, #tpu.memory_space<semaphore_mem>>) attributes {dimension_semantics = [#tpu.dimension_semantics<core_parallel>, #tpu.dimension_semantics<subcore_parallel>], iteration_bounds = array<i64: 2, 16>, scalar_prefetch = 0 : i64, scratch_operands = 7 : i64, tpu.core_type = #tpu.core_type<sc_vector_subcore>, window_params = [{transform_indices = #map}, {transform_indices = #map1}, {transform_indices = #map1}]} {
    %mul3A = arith.constant 2 : i32
    %mul3A_0 = arith.muli %arg1, %mul3A : i32
    %add3A = arith.addi %mul3A_0, %arg0 : i32
    %mul3A_1 = arith.constant 6400 : i32
    %mul3A_2 = arith.muli %add3A, %mul3A_1 : i32
    "tpu.region"() ({
      %run_scoped3A = tpu.sem_alloc : memref<!tpu.dma_semaphore, #tpu.memory_space<semaphore_mem>>
      %dma_start3A_89 = tpu.memref_slice %arg2[%mul3A_2] : memref<204800xi32, #tpu.memory_space<hbm>> -> memref<6400xi32, #tpu.memory_space<hbm>>
      %dma_start3A_90 = tpu.memref_slice %arg2[%mul3A_2] : memref<204800xi32, #tpu.memory_space<hbm>> -> memref<6400xi32, #tpu.memory_space<hbm>>
      tpu.enqueue_dma source(%dma_start3A_90 : memref<6400xi32, #tpu.memory_space<hbm>>) target(%arg5 : memref<6400xi32, #tpu.memory_space<vmem>>) target_semaphore(%run_scoped3A : memref<!tpu.dma_semaphore, #tpu.memory_space<semaphore_mem>>)
      %dma_wait3A_91 = tpu.memref_slice %arg2[%mul3A_2] : memref<204800xi32, #tpu.memory_space<hbm>> -> memref<6400xi32, #tpu.memory_space<hbm>>
      %dma_wait3A_92 = tpu.memref_slice %arg2[%mul3A_2] : memref<204800xi32, #tpu.memory_space<hbm>> -> memref<6400xi32, #tpu.memory_space<hbm>>
      tpu.wait_dma2 semaphore(%run_scoped3A : memref<!tpu.dma_semaphore, #tpu.memory_space<semaphore_mem>>) src(%dma_wait3A_92 : memref<6400xi32, #tpu.memory_space<hbm>>) dst(%arg5 : memref<6400xi32, #tpu.memory_space<vmem>>)
      tpu.yield
    }) : () -> ()
    %dma_start3A = arith.constant 0 : i32
    %dma_start3A_3 = tpu.memref_slice %arg5[%dma_start3A] : memref<6400xi32, #tpu.memory_space<vmem>> -> memref<1600xi32, #tpu.memory_space<vmem>>
    %dma_start3A_4 = arith.constant 0 : i32
    %dma_start3A_5 = arith.constant 0 : i32
    %dma_start3A_6 = tpu.memref_slice %arg3[%dma_start3A_4, %dma_start3A_5] : memref<1000x32xf32, #tpu.memory_space<hbm>> -> memref<1000x32xf32, #tpu.memory_space<hbm>>
    tpu.enqueue_indirect_dma source(%dma_start3A_6 : memref<1000x32xf32, #tpu.memory_space<hbm>>) target(%arg6 : memref<1600x32xf32, #tpu.memory_space<vmem>>) offsets(%dma_start3A_3 : memref<1600xi32, #tpu.memory_space<vmem>>) semaphore(%arg8 : memref<!tpu.dma_semaphore, #tpu.memory_space<semaphore_mem>>)
    %dma_wait3A = arith.constant 0 : i32
    %dma_wait3A_7 = tpu.memref_slice %arg5[%dma_wait3A] : memref<6400xi32, #tpu.memory_space<vmem>> -> memref<1600xi32, #tpu.memory_space<vmem>>
    %dma_wait3A_8 = arith.constant 0 : i32
    %dma_wait3A_9 = arith.constant 0 : i32
    %dma_wait3A_10 = tpu.memref_slice %arg3[%dma_wait3A_8, %dma_wait3A_9] : memref<1000x32xf32, #tpu.memory_space<hbm>> -> memref<1000x32xf32, #tpu.memory_space<hbm>>
    tpu.wait_indirect_dma semaphore(%arg8 : memref<!tpu.dma_semaphore, #tpu.memory_space<semaphore_mem>>) src(%dma_wait3A_10 : memref<1000x32xf32, #tpu.memory_space<hbm>>) dst(%arg6 : memref<1600x32xf32, #tpu.memory_space<vmem>>)
    %add3A_11 = arith.constant 0 : i32
    %add3A_12 = arith.addi %mul3A_2, %add3A_11 : i32
    %dma_start3A_13 = arith.constant 0 : i32
    %dma_start3A_14 = tpu.memref_slice %arg4[%add3A_12, %dma_start3A_13] : memref<204800x32xf32, #tpu.memory_space<hbm>> -> memref<1600x32xf32, #tpu.memory_space<hbm>>
    %dma_start3A_15 = arith.constant 0 : i32
    %dma_start3A_16 = tpu.memref_slice %arg4[%add3A_12, %dma_start3A_15] : memref<204800x32xf32, #tpu.memory_space<hbm>> -> memref<1600x32xf32, #tpu.memory_space<hbm>>
    tpu.enqueue_dma source(%arg6 : memref<1600x32xf32, #tpu.memory_space<vmem>>) target(%dma_start3A_16 : memref<1600x32xf32, #tpu.memory_space<hbm>>) target_semaphore(%arg10 : memref<!tpu.dma_semaphore, #tpu.memory_space<semaphore_mem>>)
    %dma_start3A_17 = arith.constant 1600 : i32
    %dma_start3A_18 = tpu.memref_slice %arg5[%dma_start3A_17] : memref<6400xi32, #tpu.memory_space<vmem>> -> memref<1600xi32, #tpu.memory_space<vmem>>
    %dma_start3A_19 = arith.constant 0 : i32
    %dma_start3A_20 = arith.constant 0 : i32
    %dma_start3A_21 = tpu.memref_slice %arg3[%dma_start3A_19, %dma_start3A_20] : memref<1000x32xf32, #tpu.memory_space<hbm>> -> memref<1000x32xf32, #tpu.memory_space<hbm>>
    tpu.enqueue_indirect_dma source(%dma_start3A_21 : memref<1000x32xf32, #tpu.memory_space<hbm>>) target(%arg7 : memref<1600x32xf32, #tpu.memory_space<vmem>>) offsets(%dma_start3A_18 : memref<1600xi32, #tpu.memory_space<vmem>>) semaphore(%arg9 : memref<!tpu.dma_semaphore, #tpu.memory_space<semaphore_mem>>)
    %dma_wait3A_22 = arith.constant 1600 : i32
    %dma_wait3A_23 = tpu.memref_slice %arg5[%dma_wait3A_22] : memref<6400xi32, #tpu.memory_space<vmem>> -> memref<1600xi32, #tpu.memory_space<vmem>>
    %dma_wait3A_24 = arith.constant 0 : i32
    %dma_wait3A_25 = arith.constant 0 : i32
    %dma_wait3A_26 = tpu.memref_slice %arg3[%dma_wait3A_24, %dma_wait3A_25] : memref<1000x32xf32, #tpu.memory_space<hbm>> -> memref<1000x32xf32, #tpu.memory_space<hbm>>
    tpu.wait_indirect_dma semaphore(%arg9 : memref<!tpu.dma_semaphore, #tpu.memory_space<semaphore_mem>>) src(%dma_wait3A_26 : memref<1000x32xf32, #tpu.memory_space<hbm>>) dst(%arg7 : memref<1600x32xf32, #tpu.memory_space<vmem>>)
    %add3A_27 = arith.constant 1600 : i32
    %add3A_28 = arith.addi %mul3A_2, %add3A_27 : i32
    %dma_start3A_29 = arith.constant 0 : i32
    %dma_start3A_30 = tpu.memref_slice %arg4[%add3A_28, %dma_start3A_29] : memref<204800x32xf32, #tpu.memory_space<hbm>> -> memref<1600x32xf32, #tpu.memory_space<hbm>>
    %dma_start3A_31 = arith.constant 0 : i32
    %dma_start3A_32 = tpu.memref_slice %arg4[%add3A_28, %dma_start3A_31] : memref<204800x32xf32, #tpu.memory_space<hbm>> -> memref<1600x32xf32, #tpu.memory_space<hbm>>
    tpu.enqueue_dma source(%arg7 : memref<1600x32xf32, #tpu.memory_space<vmem>>) target(%dma_start3A_32 : memref<1600x32xf32, #tpu.memory_space<hbm>>) target_semaphore(%arg11 : memref<!tpu.dma_semaphore, #tpu.memory_space<semaphore_mem>>)
    %add3A_33 = arith.constant 0 : i32
    %add3A_34 = arith.addi %mul3A_2, %add3A_33 : i32
    %dma_wait3A_35 = arith.constant 0 : i32
    %dma_wait3A_36 = tpu.memref_slice %arg4[%add3A_34, %dma_wait3A_35] : memref<204800x32xf32, #tpu.memory_space<hbm>> -> memref<1600x32xf32, #tpu.memory_space<hbm>>
    %dma_wait3A_37 = arith.constant 0 : i32
    %dma_wait3A_38 = tpu.memref_slice %arg4[%add3A_34, %dma_wait3A_37] : memref<204800x32xf32, #tpu.memory_space<hbm>> -> memref<1600x32xf32, #tpu.memory_space<hbm>>
    tpu.wait_dma2 semaphore(%arg10 : memref<!tpu.dma_semaphore, #tpu.memory_space<semaphore_mem>>) src(%arg6 : memref<1600x32xf32, #tpu.memory_space<vmem>>) dst(%dma_wait3A_38 : memref<1600x32xf32, #tpu.memory_space<hbm>>)
    %dma_start3A_39 = arith.constant 3200 : i32
    %dma_start3A_40 = tpu.memref_slice %arg5[%dma_start3A_39] : memref<6400xi32, #tpu.memory_space<vmem>> -> memref<1600xi32, #tpu.memory_space<vmem>>
    %dma_start3A_41 = arith.constant 0 : i32
    %dma_start3A_42 = arith.constant 0 : i32
    %dma_start3A_43 = tpu.memref_slice %arg3[%dma_start3A_41, %dma_start3A_42] : memref<1000x32xf32, #tpu.memory_space<hbm>> -> memref<1000x32xf32, #tpu.memory_space<hbm>>
    tpu.enqueue_indirect_dma source(%dma_start3A_43 : memref<1000x32xf32, #tpu.memory_space<hbm>>) target(%arg6 : memref<1600x32xf32, #tpu.memory_space<vmem>>) offsets(%dma_start3A_40 : memref<1600xi32, #tpu.memory_space<vmem>>) semaphore(%arg8 : memref<!tpu.dma_semaphore, #tpu.memory_space<semaphore_mem>>)
    %dma_wait3A_44 = arith.constant 3200 : i32
    %dma_wait3A_45 = tpu.memref_slice %arg5[%dma_wait3A_44] : memref<6400xi32, #tpu.memory_space<vmem>> -> memref<1600xi32, #tpu.memory_space<vmem>>
    %dma_wait3A_46 = arith.constant 0 : i32
    %dma_wait3A_47 = arith.constant 0 : i32
    %dma_wait3A_48 = tpu.memref_slice %arg3[%dma_wait3A_46, %dma_wait3A_47] : memref<1000x32xf32, #tpu.memory_space<hbm>> -> memref<1000x32xf32, #tpu.memory_space<hbm>>
    tpu.wait_indirect_dma semaphore(%arg8 : memref<!tpu.dma_semaphore, #tpu.memory_space<semaphore_mem>>) src(%dma_wait3A_48 : memref<1000x32xf32, #tpu.memory_space<hbm>>) dst(%arg6 : memref<1600x32xf32, #tpu.memory_space<vmem>>)
    %add3A_49 = arith.constant 3200 : i32
    %add3A_50 = arith.addi %mul3A_2, %add3A_49 : i32
    %dma_start3A_51 = arith.constant 0 : i32
    %dma_start3A_52 = tpu.memref_slice %arg4[%add3A_50, %dma_start3A_51] : memref<204800x32xf32, #tpu.memory_space<hbm>> -> memref<1600x32xf32, #tpu.memory_space<hbm>>
    %dma_start3A_53 = arith.constant 0 : i32
    %dma_start3A_54 = tpu.memref_slice %arg4[%add3A_50, %dma_start3A_53] : memref<204800x32xf32, #tpu.memory_space<hbm>> -> memref<1600x32xf32, #tpu.memory_space<hbm>>
    tpu.enqueue_dma source(%arg6 : memref<1600x32xf32, #tpu.memory_space<vmem>>) target(%dma_start3A_54 : memref<1600x32xf32, #tpu.memory_space<hbm>>) target_semaphore(%arg10 : memref<!tpu.dma_semaphore, #tpu.memory_space<semaphore_mem>>)
    %add3A_55 = arith.constant 1600 : i32
    %add3A_56 = arith.addi %mul3A_2, %add3A_55 : i32
    %dma_wait3A_57 = arith.constant 0 : i32
    %dma_wait3A_58 = tpu.memref_slice %arg4[%add3A_56, %dma_wait3A_57] : memref<204800x32xf32, #tpu.memory_space<hbm>> -> memref<1600x32xf32, #tpu.memory_space<hbm>>
    %dma_wait3A_59 = arith.constant 0 : i32
    %dma_wait3A_60 = tpu.memref_slice %arg4[%add3A_56, %dma_wait3A_59] : memref<204800x32xf32, #tpu.memory_space<hbm>> -> memref<1600x32xf32, #tpu.memory_space<hbm>>
    tpu.wait_dma2 semaphore(%arg11 : memref<!tpu.dma_semaphore, #tpu.memory_space<semaphore_mem>>) src(%arg7 : memref<1600x32xf32, #tpu.memory_space<vmem>>) dst(%dma_wait3A_60 : memref<1600x32xf32, #tpu.memory_space<hbm>>)
    %dma_start3A_61 = arith.constant 4800 : i32
    %dma_start3A_62 = tpu.memref_slice %arg5[%dma_start3A_61] : memref<6400xi32, #tpu.memory_space<vmem>> -> memref<1600xi32, #tpu.memory_space<vmem>>
    %dma_start3A_63 = arith.constant 0 : i32
    %dma_start3A_64 = arith.constant 0 : i32
    %dma_start3A_65 = tpu.memref_slice %arg3[%dma_start3A_63, %dma_start3A_64] : memref<1000x32xf32, #tpu.memory_space<hbm>> -> memref<1000x32xf32, #tpu.memory_space<hbm>>
    tpu.enqueue_indirect_dma source(%dma_start3A_65 : memref<1000x32xf32, #tpu.memory_space<hbm>>) target(%arg7 : memref<1600x32xf32, #tpu.memory_space<vmem>>) offsets(%dma_start3A_62 : memref<1600xi32, #tpu.memory_space<vmem>>) semaphore(%arg9 : memref<!tpu.dma_semaphore, #tpu.memory_space<semaphore_mem>>)
    %dma_wait3A_66 = arith.constant 4800 : i32
    %dma_wait3A_67 = tpu.memref_slice %arg5[%dma_wait3A_66] : memref<6400xi32, #tpu.memory_space<vmem>> -> memref<1600xi32, #tpu.memory_space<vmem>>
    %dma_wait3A_68 = arith.constant 0 : i32
    %dma_wait3A_69 = arith.constant 0 : i32
    %dma_wait3A_70 = tpu.memref_slice %arg3[%dma_wait3A_68, %dma_wait3A_69] : memref<1000x32xf32, #tpu.memory_space<hbm>> -> memref<1000x32xf32, #tpu.memory_space<hbm>>
    tpu.wait_indirect_dma semaphore(%arg9 : memref<!tpu.dma_semaphore, #tpu.memory_space<semaphore_mem>>) src(%dma_wait3A_70 : memref<1000x32xf32, #tpu.memory_space<hbm>>) dst(%arg7 : memref<1600x32xf32, #tpu.memory_space<vmem>>)
    %add3A_71 = arith.constant 4800 : i32
    %add3A_72 = arith.addi %mul3A_2, %add3A_71 : i32
    %dma_start3A_73 = arith.constant 0 : i32
    %dma_start3A_74 = tpu.memref_slice %arg4[%add3A_72, %dma_start3A_73] : memref<204800x32xf32, #tpu.memory_space<hbm>> -> memref<1600x32xf32, #tpu.memory_space<hbm>>
    %dma_start3A_75 = arith.constant 0 : i32
    %dma_start3A_76 = tpu.memref_slice %arg4[%add3A_72, %dma_start3A_75] : memref<204800x32xf32, #tpu.memory_space<hbm>> -> memref<1600x32xf32, #tpu.memory_space<hbm>>
    tpu.enqueue_dma source(%arg7 : memref<1600x32xf32, #tpu.memory_space<vmem>>) target(%dma_start3A_76 : memref<1600x32xf32, #tpu.memory_space<hbm>>) target_semaphore(%arg11 : memref<!tpu.dma_semaphore, #tpu.memory_space<semaphore_mem>>)
    %add3A_77 = arith.constant 4800 : i32
    %add3A_78 = arith.addi %mul3A_2, %add3A_77 : i32
    %dma_wait3A_79 = arith.constant 0 : i32
    %dma_wait3A_80 = tpu.memref_slice %arg4[%add3A_78, %dma_wait3A_79] : memref<204800x32xf32, #tpu.memory_space<hbm>> -> memref<1600x32xf32, #tpu.memory_space<hbm>>
    %dma_wait3A_81 = arith.constant 0 : i32
    %dma_wait3A_82 = tpu.memref_slice %arg4[%add3A_78, %dma_wait3A_81] : memref<204800x32xf32, #tpu.memory_space<hbm>> -> memref<1600x32xf32, #tpu.memory_space<hbm>>
    tpu.wait_dma2 semaphore(%arg11 : memref<!tpu.dma_semaphore, #tpu.memory_space<semaphore_mem>>) src(%arg7 : memref<1600x32xf32, #tpu.memory_space<vmem>>) dst(%dma_wait3A_82 : memref<1600x32xf32, #tpu.memory_space<hbm>>)
    %add3A_83 = arith.constant 3200 : i32
    %add3A_84 = arith.addi %mul3A_2, %add3A_83 : i32
    %dma_wait3A_85 = arith.constant 0 : i32
    %dma_wait3A_86 = tpu.memref_slice %arg4[%add3A_84, %dma_wait3A_85] : memref<204800x32xf32, #tpu.memory_space<hbm>> -> memref<1600x32xf32, #tpu.memory_space<hbm>>
    %dma_wait3A_87 = arith.constant 0 : i32
    %dma_wait3A_88 = tpu.memref_slice %arg4[%add3A_84, %dma_wait3A_87] : memref<204800x32xf32, #tpu.memory_space<hbm>> -> memref<1600x32xf32, #tpu.memory_space<hbm>>
    tpu.wait_dma2 semaphore(%arg10 : memref<!tpu.dma_semaphore, #tpu.memory_space<semaphore_mem>>) src(%arg6 : memref<1600x32xf32, #tpu.memory_space<vmem>>) dst(%dma_wait3A_88 : memref<1600x32xf32, #tpu.memory_space<hbm>>)
    return
  }
}

module attributes {stable_mosaic.version = 14 : i64} {
  func.func @body(%arg0: i32, %arg1: memref<1600x32xf32, #tpu.memory_space<vmem>>, %arg2: memref<50x32xf32, #tpu.memory_space<vmem>>, %arg3: memref<32x1000xf32, #tpu.memory_space<vmem>>, %arg4: memref<1x1000xf32, #tpu.memory_space<vmem>>, %arg5: memref<32x50x1000xf32, #tpu.memory_space<vmem>>) attributes {dimension_semantics = [#tpu.dimension_semantics<arbitrary>], iteration_bounds = array<i64: 128>, scalar_prefetch = 0 : i64, scratch_operands = 0 : i64, tpu.core_type = #tpu.core_type<tc>, window_params = [{transform_indices = @transform_0, window_bounds = array<i64: 1600, 32>}, {pipeline_mode = #tpu.pipeline_mode<synchronous>, transform_indices = @transform_1, window_bounds = array<i64: 50, 32>}, {pipeline_mode = #tpu.pipeline_mode<synchronous>, transform_indices = @transform_2, window_bounds = array<i64: 32, 1000>}, {pipeline_mode = #tpu.pipeline_mode<synchronous>, transform_indices = @transform_3, window_bounds = array<i64: 1, 1000>}, {transform_indices = @transform_4, window_bounds = array<i64: 32, 50, 1000>}]} {
    %get3A = arith.constant 0 : index
    %get3A_0 = arith.constant 0 : index
    %get3A_1 = vector.load %arg3[%get3A, %get3A_0] : memref<32x1000xf32, #tpu.memory_space<vmem>>, vector<32x1000xf32>
    %get3A_2 = arith.constant 0 : index
    %get3A_3 = arith.constant 0 : index
    %get3A_4 = vector.load %arg4[%get3A_2, %get3A_3] : memref<1x1000xf32, #tpu.memory_space<vmem>>, vector<1x1000xf32>
    %get3A_5 = arith.constant 0 : index
    %get3A_6 = arith.constant 0 : index
    %get3A_7 = vector.load %arg2[%get3A_5, %get3A_6] : memref<50x32xf32, #tpu.memory_space<vmem>>, vector<50x32xf32>
    %get3A_8 = arith.constant 0 : index
    %get3A_9 = arith.constant 0 : index
    %get3A_10 = vector.load %arg1[%get3A_8, %get3A_9] : memref<1600x32xf32, #tpu.memory_space<vmem>>, vector<50x32xf32>
    %add3A = arith.addf %get3A_10, %get3A_7 : vector<50x32xf32>
    %dot_general3A = arith.constant dense<0.000000e+00> : vector<50x1000xf32>
    %dot_general3A_11 = tpu.matmul %add3A, %get3A_1, %dot_general3A {dimension_numbers = #tpu.dot_dimension_numbers<[1], [0], [0], [1], [0, 0, 1, 1], [], []>, transpose_lhs_hint = false} : vector<50x32xf32>, vector<32x1000xf32>, vector<50x1000xf32> -> vector<50x1000xf32>
    %add3A_12 = vector.broadcast %get3A_4 : vector<1x1000xf32> to vector<50x1000xf32>
    %add3A_13 = arith.addf %dot_general3A_11, %add3A_12 : vector<50x1000xf32>
    %swap3A = arith.constant 0 : index
    %swap3A_14 = arith.constant 0 : index
    %swap3A_15 = arith.constant 0 : index
    %swap3A_16 = vector.load %arg5[%swap3A, %swap3A_14, %swap3A_15] : memref<32x50x1000xf32, #tpu.memory_space<vmem>>, vector<1x50x1000xf32>
    %swap3A_17 = vector.shape_cast %swap3A_16 : vector<1x50x1000xf32> to vector<50x1000xf32>
    %swap3A_18 = vector.shape_cast %add3A_13 : vector<50x1000xf32> to vector<1x50x1000xf32>
    tpu.vector_store %arg5[%swap3A, %swap3A_14, %swap3A_15], %swap3A_18 {strides = array<i32>} : memref<32x50x1000xf32, #tpu.memory_space<vmem>>, vector<1x50x1000xf32>,
    %get3A_19 = arith.constant 50 : index
    %get3A_20 = arith.constant 0 : index
    %get3A_21 = vector.load %arg1[%get3A_19, %get3A_20] : memref<1600x32xf32, #tpu.memory_space<vmem>>, vector<50x32xf32>
    %add3A_22 = arith.addf %get3A_21, %get3A_7 : vector<50x32xf32>
    %dot_general3A_23 = arith.constant dense<0.000000e+00> : vector<50x1000xf32>
    %dot_general3A_24 = tpu.matmul %add3A_22, %get3A_1, %dot_general3A_23 {dimension_numbers = #tpu.dot_dimension_numbers<[1], [0], [0], [1], [0, 0, 1, 1], [], []>, transpose_lhs_hint = false} : vector<50x32xf32>, vector<32x1000xf32>, vector<50x1000xf32> -> vector<50x1000xf32>
    %add3A_25 = vector.broadcast %get3A_4 : vector<1x1000xf32> to vector<50x1000xf32>
    %add3A_26 = arith.addf %dot_general3A_24, %add3A_25 : vector<50x1000xf32>
    %swap3A_27 = arith.constant 1 : index
    %swap3A_28 = arith.constant 0 : index
    %swap3A_29 = arith.constant 0 : index
    %swap3A_30 = vector.load %arg5[%swap3A_27, %swap3A_28, %swap3A_29] : memref<32x50x1000xf32, #tpu.memory_space<vmem>>, vector<1x50x1000xf32>
    %swap3A_31 = vector.shape_cast %swap3A_30 : vector<1x50x1000xf32> to vector<50x1000xf32>
    %swap3A_32 = vector.shape_cast %add3A_26 : vector<50x1000xf32> to vector<1x50x1000xf32>
    tpu.vector_store %arg5[%swap3A_27, %swap3A_28, %swap3A_29], %swap3A_32 {strides = array<i32>} : memref<32x50x1000xf32, #tpu.memory_space<vmem>>, vector<1x50x1000xf32>,
    %get3A_33 = arith.constant 100 : index
    %get3A_34 = arith.constant 0 : index
    %get3A_35 = vector.load %arg1[%get3A_33, %get3A_34] : memref<1600x32xf32, #tpu.memory_space<vmem>>, vector<50x32xf32>
    %add3A_36 = arith.addf %get3A_35, %get3A_7 : vector<50x32xf32>
    %dot_general3A_37 = arith.constant dense<0.000000e+00> : vector<50x1000xf32>
    %dot_general3A_38 = tpu.matmul %add3A_36, %get3A_1, %dot_general3A_37 {dimension_numbers = #tpu.dot_dimension_numbers<[1], [0], [0], [1], [0, 0, 1, 1], [], []>, transpose_lhs_hint = false} : vector<50x32xf32>, vector<32x1000xf32>, vector<50x1000xf32> -> vector<50x1000xf32>
    %add3A_39 = vector.broadcast %get3A_4 : vector<1x1000xf32> to vector<50x1000xf32>
    %add3A_40 = arith.addf %dot_general3A_38, %add3A_39 : vector<50x1000xf32>
    %swap3A_41 = arith.constant 2 : index
    %swap3A_42 = arith.constant 0 : index
    %swap3A_43 = arith.constant 0 : index
    %swap3A_44 = vector.load %arg5[%swap3A_41, %swap3A_42, %swap3A_43] : memref<32x50x1000xf32, #tpu.memory_space<vmem>>, vector<1x50x1000xf32>
    %swap3A_45 = vector.shape_cast %swap3A_44 : vector<1x50x1000xf32> to vector<50x1000xf32>
    %swap3A_46 = vector.shape_cast %add3A_40 : vector<50x1000xf32> to vector<1x50x1000xf32>
    tpu.vector_store %arg5[%swap3A_41, %swap3A_42, %swap3A_43], %swap3A_46 {strides = array<i32>} : memref<32x50x1000xf32, #tpu.memory_space<vmem>>, vector<1x50x1000xf32>,
    %get3A_47 = arith.constant 150 : index
    %get3A_48 = arith.constant 0 : index
    %get3A_49 = vector.load %arg1[%get3A_47, %get3A_48] : memref<1600x32xf32, #tpu.memory_space<vmem>>, vector<50x32xf32>
    %add3A_50 = arith.addf %get3A_49, %get3A_7 : vector<50x32xf32>
    %dot_general3A_51 = arith.constant dense<0.000000e+00> : vector<50x1000xf32>
    %dot_general3A_52 = tpu.matmul %add3A_50, %get3A_1, %dot_general3A_51 {dimension_numbers = #tpu.dot_dimension_numbers<[1], [0], [0], [1], [0, 0, 1, 1], [], []>, transpose_lhs_hint = false} : vector<50x32xf32>, vector<32x1000xf32>, vector<50x1000xf32> -> vector<50x1000xf32>
    %add3A_53 = vector.broadcast %get3A_4 : vector<1x1000xf32> to vector<50x1000xf32>
    %add3A_54 = arith.addf %dot_general3A_52, %add3A_53 : vector<50x1000xf32>
    %swap3A_55 = arith.constant 3 : index
    %swap3A_56 = arith.constant 0 : index
    %swap3A_57 = arith.constant 0 : index
    %swap3A_58 = vector.load %arg5[%swap3A_55, %swap3A_56, %swap3A_57] : memref<32x50x1000xf32, #tpu.memory_space<vmem>>, vector<1x50x1000xf32>
    %swap3A_59 = vector.shape_cast %swap3A_58 : vector<1x50x1000xf32> to vector<50x1000xf32>
    %swap3A_60 = vector.shape_cast %add3A_54 : vector<50x1000xf32> to vector<1x50x1000xf32>
    tpu.vector_store %arg5[%swap3A_55, %swap3A_56, %swap3A_57], %swap3A_60 {strides = array<i32>} : memref<32x50x1000xf32, #tpu.memory_space<vmem>>, vector<1x50x1000xf32>,
    %get3A_61 = arith.constant 200 : index
    %get3A_62 = arith.constant 0 : index
    %get3A_63 = vector.load %arg1[%get3A_61, %get3A_62] : memref<1600x32xf32, #tpu.memory_space<vmem>>, vector<50x32xf32>
    %add3A_64 = arith.addf %get3A_63, %get3A_7 : vector<50x32xf32>
    %dot_general3A_65 = arith.constant dense<0.000000e+00> : vector<50x1000xf32>
    %dot_general3A_66 = tpu.matmul %add3A_64, %get3A_1, %dot_general3A_65 {dimension_numbers = #tpu.dot_dimension_numbers<[1], [0], [0], [1], [0, 0, 1, 1], [], []>, transpose_lhs_hint = false} : vector<50x32xf32>, vector<32x1000xf32>, vector<50x1000xf32> -> vector<50x1000xf32>
    %add3A_67 = vector.broadcast %get3A_4 : vector<1x1000xf32> to vector<50x1000xf32>
    %add3A_68 = arith.addf %dot_general3A_66, %add3A_67 : vector<50x1000xf32>
    %swap3A_69 = arith.constant 4 : index
    %swap3A_70 = arith.constant 0 : index
    %swap3A_71 = arith.constant 0 : index
    %swap3A_72 = vector.load %arg5[%swap3A_69, %swap3A_70, %swap3A_71] : memref<32x50x1000xf32, #tpu.memory_space<vmem>>, vector<1x50x1000xf32>
    %swap3A_73 = vector.shape_cast %swap3A_72 : vector<1x50x1000xf32> to vector<50x1000xf32>
    %swap3A_74 = vector.shape_cast %add3A_68 : vector<50x1000xf32> to vector<1x50x1000xf32>
    tpu.vector_store %arg5[%swap3A_69, %swap3A_70, %swap3A_71], %swap3A_74 {strides = array<i32>} : memref<32x50x1000xf32, #tpu.memory_space<vmem>>, vector<1x50x1000xf32>,
    %get3A_75 = arith.constant 250 : index
    %get3A_76 = arith.constant 0 : index
    %get3A_77 = vector.load %arg1[%get3A_75, %get3A_76] : memref<1600x32xf32, #tpu.memory_space<vmem>>, vector<50x32xf32>
    %add3A_78 = arith.addf %get3A_77, %get3A_7 : vector<50x32xf32>
    %dot_general3A_79 = arith.constant dense<0.000000e+00> : vector<50x1000xf32>
    %dot_general3A_80 = tpu.matmul %add3A_78, %get3A_1, %dot_general3A_79 {dimension_numbers = #tpu.dot_dimension_numbers<[1], [0], [0], [1], [0, 0, 1, 1], [], []>, transpose_lhs_hint = false} : vector<50x32xf32>, vector<32x1000xf32>, vector<50x1000xf32> -> vector<50x1000xf32>
    %add3A_81 = vector.broadcast %get3A_4 : vector<1x1000xf32> to vector<50x1000xf32>
    %add3A_82 = arith.addf %dot_general3A_80, %add3A_81 : vector<50x1000xf32>
    %swap3A_83 = arith.constant 5 : index
    %swap3A_84 = arith.constant 0 : index
    %swap3A_85 = arith.constant 0 : index
    %swap3A_86 = vector.load %arg5[%swap3A_83, %swap3A_84, %swap3A_85] : memref<32x50x1000xf32, #tpu.memory_space<vmem>>, vector<1x50x1000xf32>
    %swap3A_87 = vector.shape_cast %swap3A_86 : vector<1x50x1000xf32> to vector<50x1000xf32>
    %swap3A_88 = vector.shape_cast %add3A_82 : vector<50x1000xf32> to vector<1x50x1000xf32>
    tpu.vector_store %arg5[%swap3A_83, %swap3A_84, %swap3A_85], %swap3A_88 {strides = array<i32>} : memref<32x50x1000xf32, #tpu.memory_space<vmem>>, vector<1x50x1000xf32>,
    %get3A_89 = arith.constant 300 : index
    %get3A_90 = arith.constant 0 : index
    %get3A_91 = vector.load %arg1[%get3A_89, %get3A_90] : memref<1600x32xf32, #tpu.memory_space<vmem>>, vector<50x32xf32>
    %add3A_92 = arith.addf %get3A_91, %get3A_7 : vector<50x32xf32>
    %dot_general3A_93 = arith.constant dense<0.000000e+00> : vector<50x1000xf32>
    %dot_general3A_94 = tpu.matmul %add3A_92, %get3A_1, %dot_general3A_93 {dimension_numbers = #tpu.dot_dimension_numbers<[1], [0], [0], [1], [0, 0, 1, 1], [], []>, transpose_lhs_hint = false} : vector<50x32xf32>, vector<32x1000xf32>, vector<50x1000xf32> -> vector<50x1000xf32>
    %add3A_95 = vector.broadcast %get3A_4 : vector<1x1000xf32> to vector<50x1000xf32>
    %add3A_96 = arith.addf %dot_general3A_94, %add3A_95 : vector<50x1000xf32>
    %swap3A_97 = arith.constant 6 : index
    %swap3A_98 = arith.constant 0 : index
    %swap3A_99 = arith.constant 0 : index
    %swap3A_100 = vector.load %arg5[%swap3A_97, %swap3A_98, %swap3A_99] : memref<32x50x1000xf32, #tpu.memory_space<vmem>>, vector<1x50x1000xf32>
    %swap3A_101 = vector.shape_cast %swap3A_100 : vector<1x50x1000xf32> to vector<50x1000xf32>
    %swap3A_102 = vector.shape_cast %add3A_96 : vector<50x1000xf32> to vector<1x50x1000xf32>
    tpu.vector_store %arg5[%swap3A_97, %swap3A_98, %swap3A_99], %swap3A_102 {strides = array<i32>} : memref<32x50x1000xf32, #tpu.memory_space<vmem>>, vector<1x50x1000xf32>,
    %get3A_103 = arith.constant 350 : index
    %get3A_104 = arith.constant 0 : index
    %get3A_105 = vector.load %arg1[%get3A_103, %get3A_104] : memref<1600x32xf32, #tpu.memory_space<vmem>>, vector<50x32xf32>
    %add3A_106 = arith.addf %get3A_105, %get3A_7 : vector<50x32xf32>
    %dot_general3A_107 = arith.constant dense<0.000000e+00> : vector<50x1000xf32>
    %dot_general3A_108 = tpu.matmul %add3A_106, %get3A_1, %dot_general3A_107 {dimension_numbers = #tpu.dot_dimension_numbers<[1], [0], [0], [1], [0, 0, 1, 1], [], []>, transpose_lhs_hint = false} : vector<50x32xf32>, vector<32x1000xf32>, vector<50x1000xf32> -> vector<50x1000xf32>
    %add3A_109 = vector.broadcast %get3A_4 : vector<1x1000xf32> to vector<50x1000xf32>
    %add3A_110 = arith.addf %dot_general3A_108, %add3A_109 : vector<50x1000xf32>
    %swap3A_111 = arith.constant 7 : index
    %swap3A_112 = arith.constant 0 : index
    %swap3A_113 = arith.constant 0 : index
    %swap3A_114 = vector.load %arg5[%swap3A_111, %swap3A_112, %swap3A_113] : memref<32x50x1000xf32, #tpu.memory_space<vmem>>, vector<1x50x1000xf32>
    %swap3A_115 = vector.shape_cast %swap3A_114 : vector<1x50x1000xf32> to vector<50x1000xf32>
    %swap3A_116 = vector.shape_cast %add3A_110 : vector<50x1000xf32> to vector<1x50x1000xf32>
    tpu.vector_store %arg5[%swap3A_111, %swap3A_112, %swap3A_113], %swap3A_116 {strides = array<i32>} : memref<32x50x1000xf32, #tpu.memory_space<vmem>>, vector<1x50x1000xf32>,
    %get3A_117 = arith.constant 400 : index
    %get3A_118 = arith.constant 0 : index
    %get3A_119 = vector.load %arg1[%get3A_117, %get3A_118] : memref<1600x32xf32, #tpu.memory_space<vmem>>, vector<50x32xf32>
    %add3A_120 = arith.addf %get3A_119, %get3A_7 : vector<50x32xf32>
    %dot_general3A_121 = arith.constant dense<0.000000e+00> : vector<50x1000xf32>
    %dot_general3A_122 = tpu.matmul %add3A_120, %get3A_1, %dot_general3A_121 {dimension_numbers = #tpu.dot_dimension_numbers<[1], [0], [0], [1], [0, 0, 1, 1], [], []>, transpose_lhs_hint = false} : vector<50x32xf32>, vector<32x1000xf32>, vector<50x1000xf32> -> vector<50x1000xf32>
    %add3A_123 = vector.broadcast %get3A_4 : vector<1x1000xf32> to vector<50x1000xf32>
    %add3A_124 = arith.addf %dot_general3A_122, %add3A_123 : vector<50x1000xf32>
    %swap3A_125 = arith.constant 8 : index
    %swap3A_126 = arith.constant 0 : index
    %swap3A_127 = arith.constant 0 : index
    %swap3A_128 = vector.load %arg5[%swap3A_125, %swap3A_126, %swap3A_127] : memref<32x50x1000xf32, #tpu.memory_space<vmem>>, vector<1x50x1000xf32>
    %swap3A_129 = vector.shape_cast %swap3A_128 : vector<1x50x1000xf32> to vector<50x1000xf32>
    %swap3A_130 = vector.shape_cast %add3A_124 : vector<50x1000xf32> to vector<1x50x1000xf32>
    tpu.vector_store %arg5[%swap3A_125, %swap3A_126, %swap3A_127], %swap3A_130 {strides = array<i32>} : memref<32x50x1000xf32, #tpu.memory_space<vmem>>, vector<1x50x1000xf32>,
    %get3A_131 = arith.constant 450 : index
    %get3A_132 = arith.constant 0 : index
    %get3A_133 = vector.load %arg1[%get3A_131, %get3A_132] : memref<1600x32xf32, #tpu.memory_space<vmem>>, vector<50x32xf32>
    %add3A_134 = arith.addf %get3A_133, %get3A_7 : vector<50x32xf32>
    %dot_general3A_135 = arith.constant dense<0.000000e+00> : vector<50x1000xf32>
    %dot_general3A_136 = tpu.matmul %add3A_134, %get3A_1, %dot_general3A_135 {dimension_numbers = #tpu.dot_dimension_numbers<[1], [0], [0], [1], [0, 0, 1, 1], [], []>, transpose_lhs_hint = false} : vector<50x32xf32>, vector<32x1000xf32>, vector<50x1000xf32> -> vector<50x1000xf32>
    %add3A_137 = vector.broadcast %get3A_4 : vector<1x1000xf32> to vector<50x1000xf32>
    %add3A_138 = arith.addf %dot_general3A_136, %add3A_137 : vector<50x1000xf32>
    %swap3A_139 = arith.constant 9 : index
    %swap3A_140 = arith.constant 0 : index
    %swap3A_141 = arith.constant 0 : index
    %swap3A_142 = vector.load %arg5[%swap3A_139, %swap3A_140, %swap3A_141] : memref<32x50x1000xf32, #tpu.memory_space<vmem>>, vector<1x50x1000xf32>
    %swap3A_143 = vector.shape_cast %swap3A_142 : vector<1x50x1000xf32> to vector<50x1000xf32>
    %swap3A_144 = vector.shape_cast %add3A_138 : vector<50x1000xf32> to vector<1x50x1000xf32>
    tpu.vector_store %arg5[%swap3A_139, %swap3A_140, %swap3A_141], %swap3A_144 {strides = array<i32>} : memref<32x50x1000xf32, #tpu.memory_space<vmem>>, vector<1x50x1000xf32>,
    %get3A_145 = arith.constant 500 : index
    %get3A_146 = arith.constant 0 : index
    %get3A_147 = vector.load %arg1[%get3A_145, %get3A_146] : memref<1600x32xf32, #tpu.memory_space<vmem>>, vector<50x32xf32>
    %add3A_148 = arith.addf %get3A_147, %get3A_7 : vector<50x32xf32>
    %dot_general3A_149 = arith.constant dense<0.000000e+00> : vector<50x1000xf32>
    %dot_general3A_150 = tpu.matmul %add3A_148, %get3A_1, %dot_general3A_149 {dimension_numbers = #tpu.dot_dimension_numbers<[1], [0], [0], [1], [0, 0, 1, 1], [], []>, transpose_lhs_hint = false} : vector<50x32xf32>, vector<32x1000xf32>, vector<50x1000xf32> -> vector<50x1000xf32>
    %add3A_151 = vector.broadcast %get3A_4 : vector<1x1000xf32> to vector<50x1000xf32>
    %add3A_152 = arith.addf %dot_general3A_150, %add3A_151 : vector<50x1000xf32>
    %swap3A_153 = arith.constant 10 : index
    %swap3A_154 = arith.constant 0 : index
    %swap3A_155 = arith.constant 0 : index
    %swap3A_156 = vector.load %arg5[%swap3A_153, %swap3A_154, %swap3A_155] : memref<32x50x1000xf32, #tpu.memory_space<vmem>>, vector<1x50x1000xf32>
    %swap3A_157 = vector.shape_cast %swap3A_156 : vector<1x50x1000xf32> to vector<50x1000xf32>
    %swap3A_158 = vector.shape_cast %add3A_152 : vector<50x1000xf32> to vector<1x50x1000xf32>
    tpu.vector_store %arg5[%swap3A_153, %swap3A_154, %swap3A_155], %swap3A_158 {strides = array<i32>} : memref<32x50x1000xf32, #tpu.memory_space<vmem>>, vector<1x50x1000xf32>,
    %get3A_159 = arith.constant 550 : index
    %get3A_160 = arith.constant 0 : index
    %get3A_161 = vector.load %arg1[%get3A_159, %get3A_160] : memref<1600x32xf32, #tpu.memory_space<vmem>>, vector<50x32xf32>
    %add3A_162 = arith.addf %get3A_161, %get3A_7 : vector<50x32xf32>
    %dot_general3A_163 = arith.constant dense<0.000000e+00> : vector<50x1000xf32>
    %dot_general3A_164 = tpu.matmul %add3A_162, %get3A_1, %dot_general3A_163 {dimension_numbers = #tpu.dot_dimension_numbers<[1], [0], [0], [1], [0, 0, 1, 1], [], []>, transpose_lhs_hint = false} : vector<50x32xf32>, vector<32x1000xf32>, vector<50x1000xf32> -> vector<50x1000xf32>
    %add3A_165 = vector.broadcast %get3A_4 : vector<1x1000xf32> to vector<50x1000xf32>
    %add3A_166 = arith.addf %dot_general3A_164, %add3A_165 : vector<50x1000xf32>
    %swap3A_167 = arith.constant 11 : index
    %swap3A_168 = arith.constant 0 : index
    %swap3A_169 = arith.constant 0 : index
    %swap3A_170 = vector.load %arg5[%swap3A_167, %swap3A_168, %swap3A_169] : memref<32x50x1000xf32, #tpu.memory_space<vmem>>, vector<1x50x1000xf32>
    %swap3A_171 = vector.shape_cast %swap3A_170 : vector<1x50x1000xf32> to vector<50x1000xf32>
    %swap3A_172 = vector.shape_cast %add3A_166 : vector<50x1000xf32> to vector<1x50x1000xf32>
    tpu.vector_store %arg5[%swap3A_167, %swap3A_168, %swap3A_169], %swap3A_172 {strides = array<i32>} : memref<32x50x1000xf32, #tpu.memory_space<vmem>>, vector<1x50x1000xf32>,
    %get3A_173 = arith.constant 600 : index
    %get3A_174 = arith.constant 0 : index
    %get3A_175 = vector.load %arg1[%get3A_173, %get3A_174] : memref<1600x32xf32, #tpu.memory_space<vmem>>, vector<50x32xf32>
    %add3A_176 = arith.addf %get3A_175, %get3A_7 : vector<50x32xf32>
    %dot_general3A_177 = arith.constant dense<0.000000e+00> : vector<50x1000xf32>
    %dot_general3A_178 = tpu.matmul %add3A_176, %get3A_1, %dot_general3A_177 {dimension_numbers = #tpu.dot_dimension_numbers<[1], [0], [0], [1], [0, 0, 1, 1], [], []>, transpose_lhs_hint = false} : vector<50x32xf32>, vector<32x1000xf32>, vector<50x1000xf32> -> vector<50x1000xf32>
    %add3A_179 = vector.broadcast %get3A_4 : vector<1x1000xf32> to vector<50x1000xf32>
    %add3A_180 = arith.addf %dot_general3A_178, %add3A_179 : vector<50x1000xf32>
    %swap3A_181 = arith.constant 12 : index
    %swap3A_182 = arith.constant 0 : index
    %swap3A_183 = arith.constant 0 : index
    %swap3A_184 = vector.load %arg5[%swap3A_181, %swap3A_182, %swap3A_183] : memref<32x50x1000xf32, #tpu.memory_space<vmem>>, vector<1x50x1000xf32>
    %swap3A_185 = vector.shape_cast %swap3A_184 : vector<1x50x1000xf32> to vector<50x1000xf32>
    %swap3A_186 = vector.shape_cast %add3A_180 : vector<50x1000xf32> to vector<1x50x1000xf32>
    tpu.vector_store %arg5[%swap3A_181, %swap3A_182, %swap3A_183], %swap3A_186 {strides = array<i32>} : memref<32x50x1000xf32, #tpu.memory_space<vmem>>, vector<1x50x1000xf32>,
    %get3A_187 = arith.constant 650 : index
    %get3A_188 = arith.constant 0 : index
    %get3A_189 = vector.load %arg1[%get3A_187, %get3A_188] : memref<1600x32xf32, #tpu.memory_space<vmem>>, vector<50x32xf32>
    %add3A_190 = arith.addf %get3A_189, %get3A_7 : vector<50x32xf32>
    %dot_general3A_191 = arith.constant dense<0.000000e+00> : vector<50x1000xf32>
    %dot_general3A_192 = tpu.matmul %add3A_190, %get3A_1, %dot_general3A_191 {dimension_numbers = #tpu.dot_dimension_numbers<[1], [0], [0], [1], [0, 0, 1, 1], [], []>, transpose_lhs_hint = false} : vector<50x32xf32>, vector<32x1000xf32>, vector<50x1000xf32> -> vector<50x1000xf32>
    %add3A_193 = vector.broadcast %get3A_4 : vector<1x1000xf32> to vector<50x1000xf32>
    %add3A_194 = arith.addf %dot_general3A_192, %add3A_193 : vector<50x1000xf32>
    %swap3A_195 = arith.constant 13 : index
    %swap3A_196 = arith.constant 0 : index
    %swap3A_197 = arith.constant 0 : index
    %swap3A_198 = vector.load %arg5[%swap3A_195, %swap3A_196, %swap3A_197] : memref<32x50x1000xf32, #tpu.memory_space<vmem>>, vector<1x50x1000xf32>
    %swap3A_199 = vector.shape_cast %swap3A_198 : vector<1x50x1000xf32> to vector<50x1000xf32>
    %swap3A_200 = vector.shape_cast %add3A_194 : vector<50x1000xf32> to vector<1x50x1000xf32>
    tpu.vector_store %arg5[%swap3A_195, %swap3A_196, %swap3A_197], %swap3A_200 {strides = array<i32>} : memref<32x50x1000xf32, #tpu.memory_space<vmem>>, vector<1x50x1000xf32>,
    %get3A_201 = arith.constant 700 : index
    %get3A_202 = arith.constant 0 : index
    %get3A_203 = vector.load %arg1[%get3A_201, %get3A_202] : memref<1600x32xf32, #tpu.memory_space<vmem>>, vector<50x32xf32>
    %add3A_204 = arith.addf %get3A_203, %get3A_7 : vector<50x32xf32>
    %dot_general3A_205 = arith.constant dense<0.000000e+00> : vector<50x1000xf32>
    %dot_general3A_206 = tpu.matmul %add3A_204, %get3A_1, %dot_general3A_205 {dimension_numbers = #tpu.dot_dimension_numbers<[1], [0], [0], [1], [0, 0, 1, 1], [], []>, transpose_lhs_hint = false} : vector<50x32xf32>, vector<32x1000xf32>, vector<50x1000xf32> -> vector<50x1000xf32>
    %add3A_207 = vector.broadcast %get3A_4 : vector<1x1000xf32> to vector<50x1000xf32>
    %add3A_208 = arith.addf %dot_general3A_206, %add3A_207 : vector<50x1000xf32>
    %swap3A_209 = arith.constant 14 : index
    %swap3A_210 = arith.constant 0 : index
    %swap3A_211 = arith.constant 0 : index
    %swap3A_212 = vector.load %arg5[%swap3A_209, %swap3A_210, %swap3A_211] : memref<32x50x1000xf32, #tpu.memory_space<vmem>>, vector<1x50x1000xf32>
    %swap3A_213 = vector.shape_cast %swap3A_212 : vector<1x50x1000xf32> to vector<50x1000xf32>
    %swap3A_214 = vector.shape_cast %add3A_208 : vector<50x1000xf32> to vector<1x50x1000xf32>
    tpu.vector_store %arg5[%swap3A_209, %swap3A_210, %swap3A_211], %swap3A_214 {strides = array<i32>} : memref<32x50x1000xf32, #tpu.memory_space<vmem>>, vector<1x50x1000xf32>,
    %get3A_215 = arith.constant 750 : index
    %get3A_216 = arith.constant 0 : index
    %get3A_217 = vector.load %arg1[%get3A_215, %get3A_216] : memref<1600x32xf32, #tpu.memory_space<vmem>>, vector<50x32xf32>
    %add3A_218 = arith.addf %get3A_217, %get3A_7 : vector<50x32xf32>
    %dot_general3A_219 = arith.constant dense<0.000000e+00> : vector<50x1000xf32>
    %dot_general3A_220 = tpu.matmul %add3A_218, %get3A_1, %dot_general3A_219 {dimension_numbers = #tpu.dot_dimension_numbers<[1], [0], [0], [1], [0, 0, 1, 1], [], []>, transpose_lhs_hint = false} : vector<50x32xf32>, vector<32x1000xf32>, vector<50x1000xf32> -> vector<50x1000xf32>
    %add3A_221 = vector.broadcast %get3A_4 : vector<1x1000xf32> to vector<50x1000xf32>
    %add3A_222 = arith.addf %dot_general3A_220, %add3A_221 : vector<50x1000xf32>
    %swap3A_223 = arith.constant 15 : index
    %swap3A_224 = arith.constant 0 : index
    %swap3A_225 = arith.constant 0 : index
    %swap3A_226 = vector.load %arg5[%swap3A_223, %swap3A_224, %swap3A_225] : memref<32x50x1000xf32, #tpu.memory_space<vmem>>, vector<1x50x1000xf32>
    %swap3A_227 = vector.shape_cast %swap3A_226 : vector<1x50x1000xf32> to vector<50x1000xf32>
    %swap3A_228 = vector.shape_cast %add3A_222 : vector<50x1000xf32> to vector<1x50x1000xf32>
    tpu.vector_store %arg5[%swap3A_223, %swap3A_224, %swap3A_225], %swap3A_228 {strides = array<i32>} : memref<32x50x1000xf32, #tpu.memory_space<vmem>>, vector<1x50x1000xf32>,
    %get3A_229 = arith.constant 800 : index
    %get3A_230 = arith.constant 0 : index
    %get3A_231 = vector.load %arg1[%get3A_229, %get3A_230] : memref<1600x32xf32, #tpu.memory_space<vmem>>, vector<50x32xf32>
    %add3A_232 = arith.addf %get3A_231, %get3A_7 : vector<50x32xf32>
    %dot_general3A_233 = arith.constant dense<0.000000e+00> : vector<50x1000xf32>
    %dot_general3A_234 = tpu.matmul %add3A_232, %get3A_1, %dot_general3A_233 {dimension_numbers = #tpu.dot_dimension_numbers<[1], [0], [0], [1], [0, 0, 1, 1], [], []>, transpose_lhs_hint = false} : vector<50x32xf32>, vector<32x1000xf32>, vector<50x1000xf32> -> vector<50x1000xf32>
    %add3A_235 = vector.broadcast %get3A_4 : vector<1x1000xf32> to vector<50x1000xf32>
    %add3A_236 = arith.addf %dot_general3A_234, %add3A_235 : vector<50x1000xf32>
    %swap3A_237 = arith.constant 16 : index
    %swap3A_238 = arith.constant 0 : index
    %swap3A_239 = arith.constant 0 : index
    %swap3A_240 = vector.load %arg5[%swap3A_237, %swap3A_238, %swap3A_239] : memref<32x50x1000xf32, #tpu.memory_space<vmem>>, vector<1x50x1000xf32>
    %swap3A_241 = vector.shape_cast %swap3A_240 : vector<1x50x1000xf32> to vector<50x1000xf32>
    %swap3A_242 = vector.shape_cast %add3A_236 : vector<50x1000xf32> to vector<1x50x1000xf32>
    tpu.vector_store %arg5[%swap3A_237, %swap3A_238, %swap3A_239], %swap3A_242 {strides = array<i32>} : memref<32x50x1000xf32, #tpu.memory_space<vmem>>, vector<1x50x1000xf32>,
    %get3A_243 = arith.constant 850 : index
    %get3A_244 = arith.constant 0 : index
    %get3A_245 = vector.load %arg1[%get3A_243, %get3A_244] : memref<1600x32xf32, #tpu.memory_space<vmem>>, vector<50x32xf32>
    %add3A_246 = arith.addf %get3A_245, %get3A_7 : vector<50x32xf32>
    %dot_general3A_247 = arith.constant dense<0.000000e+00> : vector<50x1000xf32>
    %dot_general3A_248 = tpu.matmul %add3A_246, %get3A_1, %dot_general3A_247 {dimension_numbers = #tpu.dot_dimension_numbers<[1], [0], [0], [1], [0, 0, 1, 1], [], []>, transpose_lhs_hint = false} : vector<50x32xf32>, vector<32x1000xf32>, vector<50x1000xf32> -> vector<50x1000xf32>
    %add3A_249 = vector.broadcast %get3A_4 : vector<1x1000xf32> to vector<50x1000xf32>
    %add3A_250 = arith.addf %dot_general3A_248, %add3A_249 : vector<50x1000xf32>
    %swap3A_251 = arith.constant 17 : index
    %swap3A_252 = arith.constant 0 : index
    %swap3A_253 = arith.constant 0 : index
    %swap3A_254 = vector.load %arg5[%swap3A_251, %swap3A_252, %swap3A_253] : memref<32x50x1000xf32, #tpu.memory_space<vmem>>, vector<1x50x1000xf32>
    %swap3A_255 = vector.shape_cast %swap3A_254 : vector<1x50x1000xf32> to vector<50x1000xf32>
    %swap3A_256 = vector.shape_cast %add3A_250 : vector<50x1000xf32> to vector<1x50x1000xf32>
    tpu.vector_store %arg5[%swap3A_251, %swap3A_252, %swap3A_253], %swap3A_256 {strides = array<i32>} : memref<32x50x1000xf32, #tpu.memory_space<vmem>>, vector<1x50x1000xf32>,
    %get3A_257 = arith.constant 900 : index
    %get3A_258 = arith.constant 0 : index
    %get3A_259 = vector.load %arg1[%get3A_257, %get3A_258] : memref<1600x32xf32, #tpu.memory_space<vmem>>, vector<50x32xf32>
    %add3A_260 = arith.addf %get3A_259, %get3A_7 : vector<50x32xf32>
    %dot_general3A_261 = arith.constant dense<0.000000e+00> : vector<50x1000xf32>
    %dot_general3A_262 = tpu.matmul %add3A_260, %get3A_1, %dot_general3A_261 {dimension_numbers = #tpu.dot_dimension_numbers<[1], [0], [0], [1], [0, 0, 1, 1], [], []>, transpose_lhs_hint = false} : vector<50x32xf32>, vector<32x1000xf32>, vector<50x1000xf32> -> vector<50x1000xf32>
    %add3A_263 = vector.broadcast %get3A_4 : vector<1x1000xf32> to vector<50x1000xf32>
    %add3A_264 = arith.addf %dot_general3A_262, %add3A_263 : vector<50x1000xf32>
    %swap3A_265 = arith.constant 18 : index
    %swap3A_266 = arith.constant 0 : index
    %swap3A_267 = arith.constant 0 : index
    %swap3A_268 = vector.load %arg5[%swap3A_265, %swap3A_266, %swap3A_267] : memref<32x50x1000xf32, #tpu.memory_space<vmem>>, vector<1x50x1000xf32>
    %swap3A_269 = vector.shape_cast %swap3A_268 : vector<1x50x1000xf32> to vector<50x1000xf32>
    %swap3A_270 = vector.shape_cast %add3A_264 : vector<50x1000xf32> to vector<1x50x1000xf32>
    tpu.vector_store %arg5[%swap3A_265, %swap3A_266, %swap3A_267], %swap3A_270 {strides = array<i32>} : memref<32x50x1000xf32, #tpu.memory_space<vmem>>, vector<1x50x1000xf32>,
    %get3A_271 = arith.constant 950 : index
    %get3A_272 = arith.constant 0 : index
    %get3A_273 = vector.load %arg1[%get3A_271, %get3A_272] : memref<1600x32xf32, #tpu.memory_space<vmem>>, vector<50x32xf32>
    %add3A_274 = arith.addf %get3A_273, %get3A_7 : vector<50x32xf32>
    %dot_general3A_275 = arith.constant dense<0.000000e+00> : vector<50x1000xf32>
    %dot_general3A_276 = tpu.matmul %add3A_274, %get3A_1, %dot_general3A_275 {dimension_numbers = #tpu.dot_dimension_numbers<[1], [0], [0], [1], [0, 0, 1, 1], [], []>, transpose_lhs_hint = false} : vector<50x32xf32>, vector<32x1000xf32>, vector<50x1000xf32> -> vector<50x1000xf32>
    %add3A_277 = vector.broadcast %get3A_4 : vector<1x1000xf32> to vector<50x1000xf32>
    %add3A_278 = arith.addf %dot_general3A_276, %add3A_277 : vector<50x1000xf32>
    %swap3A_279 = arith.constant 19 : index
    %swap3A_280 = arith.constant 0 : index
    %swap3A_281 = arith.constant 0 : index
    %swap3A_282 = vector.load %arg5[%swap3A_279, %swap3A_280, %swap3A_281] : memref<32x50x1000xf32, #tpu.memory_space<vmem>>, vector<1x50x1000xf32>
    %swap3A_283 = vector.shape_cast %swap3A_282 : vector<1x50x1000xf32> to vector<50x1000xf32>
    %swap3A_284 = vector.shape_cast %add3A_278 : vector<50x1000xf32> to vector<1x50x1000xf32>
    tpu.vector_store %arg5[%swap3A_279, %swap3A_280, %swap3A_281], %swap3A_284 {strides = array<i32>} : memref<32x50x1000xf32, #tpu.memory_space<vmem>>, vector<1x50x1000xf32>,
    %get3A_285 = arith.constant 1000 : index
    %get3A_286 = arith.constant 0 : index
    %get3A_287 = vector.load %arg1[%get3A_285, %get3A_286] : memref<1600x32xf32, #tpu.memory_space<vmem>>, vector<50x32xf32>
    %add3A_288 = arith.addf %get3A_287, %get3A_7 : vector<50x32xf32>
    %dot_general3A_289 = arith.constant dense<0.000000e+00> : vector<50x1000xf32>
    %dot_general3A_290 = tpu.matmul %add3A_288, %get3A_1, %dot_general3A_289 {dimension_numbers = #tpu.dot_dimension_numbers<[1], [0], [0], [1], [0, 0, 1, 1], [], []>, transpose_lhs_hint = false} : vector<50x32xf32>, vector<32x1000xf32>, vector<50x1000xf32> -> vector<50x1000xf32>
    %add3A_291 = vector.broadcast %get3A_4 : vector<1x1000xf32> to vector<50x1000xf32>
    %add3A_292 = arith.addf %dot_general3A_290, %add3A_291 : vector<50x1000xf32>
    %swap3A_293 = arith.constant 20 : index
    %swap3A_294 = arith.constant 0 : index
    %swap3A_295 = arith.constant 0 : index
    %swap3A_296 = vector.load %arg5[%swap3A_293, %swap3A_294, %swap3A_295] : memref<32x50x1000xf32, #tpu.memory_space<vmem>>, vector<1x50x1000xf32>
    %swap3A_297 = vector.shape_cast %swap3A_296 : vector<1x50x1000xf32> to vector<50x1000xf32>
    %swap3A_298 = vector.shape_cast %add3A_292 : vector<50x1000xf32> to vector<1x50x1000xf32>
    tpu.vector_store %arg5[%swap3A_293, %swap3A_294, %swap3A_295], %swap3A_298 {strides = array<i32>} : memref<32x50x1000xf32, #tpu.memory_space<vmem>>, vector<1x50x1000xf32>,
    %get3A_299 = arith.constant 1050 : index
    %get3A_300 = arith.constant 0 : index
    %get3A_301 = vector.load %arg1[%get3A_299, %get3A_300] : memref<1600x32xf32, #tpu.memory_space<vmem>>, vector<50x32xf32>
    %add3A_302 = arith.addf %get3A_301, %get3A_7 : vector<50x32xf32>
    %dot_general3A_303 = arith.constant dense<0.000000e+00> : vector<50x1000xf32>
    %dot_general3A_304 = tpu.matmul %add3A_302, %get3A_1, %dot_general3A_303 {dimension_numbers = #tpu.dot_dimension_numbers<[1], [0], [0], [1], [0, 0, 1, 1], [], []>, transpose_lhs_hint = false} : vector<50x32xf32>, vector<32x1000xf32>, vector<50x1000xf32> -> vector<50x1000xf32>
    %add3A_305 = vector.broadcast %get3A_4 : vector<1x1000xf32> to vector<50x1000xf32>
    %add3A_306 = arith.addf %dot_general3A_304, %add3A_305 : vector<50x1000xf32>
    %swap3A_307 = arith.constant 21 : index
    %swap3A_308 = arith.constant 0 : index
    %swap3A_309 = arith.constant 0 : index
    %swap3A_310 = vector.load %arg5[%swap3A_307, %swap3A_308, %swap3A_309] : memref<32x50x1000xf32, #tpu.memory_space<vmem>>, vector<1x50x1000xf32>
    %swap3A_311 = vector.shape_cast %swap3A_310 : vector<1x50x1000xf32> to vector<50x1000xf32>
    %swap3A_312 = vector.shape_cast %add3A_306 : vector<50x1000xf32> to vector<1x50x1000xf32>
    tpu.vector_store %arg5[%swap3A_307, %swap3A_308, %swap3A_309], %swap3A_312 {strides = array<i32>} : memref<32x50x1000xf32, #tpu.memory_space<vmem>>, vector<1x50x1000xf32>,
    %get3A_313 = arith.constant 1100 : index
    %get3A_314 = arith.constant 0 : index
    %get3A_315 = vector.load %arg1[%get3A_313, %get3A_314] : memref<1600x32xf32, #tpu.memory_space<vmem>>, vector<50x32xf32>
    %add3A_316 = arith.addf %get3A_315, %get3A_7 : vector<50x32xf32>
    %dot_general3A_317 = arith.constant dense<0.000000e+00> : vector<50x1000xf32>
    %dot_general3A_318 = tpu.matmul %add3A_316, %get3A_1, %dot_general3A_317 {dimension_numbers = #tpu.dot_dimension_numbers<[1], [0], [0], [1], [0, 0, 1, 1], [], []>, transpose_lhs_hint = false} : vector<50x32xf32>, vector<32x1000xf32>, vector<50x1000xf32> -> vector<50x1000xf32>
    %add3A_319 = vector.broadcast %get3A_4 : vector<1x1000xf32> to vector<50x1000xf32>
    %add3A_320 = arith.addf %dot_general3A_318, %add3A_319 : vector<50x1000xf32>
    %swap3A_321 = arith.constant 22 : index
    %swap3A_322 = arith.constant 0 : index
    %swap3A_323 = arith.constant 0 : index
    %swap3A_324 = vector.load %arg5[%swap3A_321, %swap3A_322, %swap3A_323] : memref<32x50x1000xf32, #tpu.memory_space<vmem>>, vector<1x50x1000xf32>
    %swap3A_325 = vector.shape_cast %swap3A_324 : vector<1x50x1000xf32> to vector<50x1000xf32>
    %swap3A_326 = vector.shape_cast %add3A_320 : vector<50x1000xf32> to vector<1x50x1000xf32>
    tpu.vector_store %arg5[%swap3A_321, %swap3A_322, %swap3A_323], %swap3A_326 {strides = array<i32>} : memref<32x50x1000xf32, #tpu.memory_space<vmem>>, vector<1x50x1000xf32>,
    %get3A_327 = arith.constant 1150 : index
    %get3A_328 = arith.constant 0 : index
    %get3A_329 = vector.load %arg1[%get3A_327, %get3A_328] : memref<1600x32xf32, #tpu.memory_space<vmem>>, vector<50x32xf32>
    %add3A_330 = arith.addf %get3A_329, %get3A_7 : vector<50x32xf32>
    %dot_general3A_331 = arith.constant dense<0.000000e+00> : vector<50x1000xf32>
    %dot_general3A_332 = tpu.matmul %add3A_330, %get3A_1, %dot_general3A_331 {dimension_numbers = #tpu.dot_dimension_numbers<[1], [0], [0], [1], [0, 0, 1, 1], [], []>, transpose_lhs_hint = false} : vector<50x32xf32>, vector<32x1000xf32>, vector<50x1000xf32> -> vector<50x1000xf32>
    %add3A_333 = vector.broadcast %get3A_4 : vector<1x1000xf32> to vector<50x1000xf32>
    %add3A_334 = arith.addf %dot_general3A_332, %add3A_333 : vector<50x1000xf32>
    %swap3A_335 = arith.constant 23 : index
    %swap3A_336 = arith.constant 0 : index
    %swap3A_337 = arith.constant 0 : index
    %swap3A_338 = vector.load %arg5[%swap3A_335, %swap3A_336, %swap3A_337] : memref<32x50x1000xf32, #tpu.memory_space<vmem>>, vector<1x50x1000xf32>
    %swap3A_339 = vector.shape_cast %swap3A_338 : vector<1x50x1000xf32> to vector<50x1000xf32>
    %swap3A_340 = vector.shape_cast %add3A_334 : vector<50x1000xf32> to vector<1x50x1000xf32>
    tpu.vector_store %arg5[%swap3A_335, %swap3A_336, %swap3A_337], %swap3A_340 {strides = array<i32>} : memref<32x50x1000xf32, #tpu.memory_space<vmem>>, vector<1x50x1000xf32>,
    %get3A_341 = arith.constant 1200 : index
    %get3A_342 = arith.constant 0 : index
    %get3A_343 = vector.load %arg1[%get3A_341, %get3A_342] : memref<1600x32xf32, #tpu.memory_space<vmem>>, vector<50x32xf32>
    %add3A_344 = arith.addf %get3A_343, %get3A_7 : vector<50x32xf32>
    %dot_general3A_345 = arith.constant dense<0.000000e+00> : vector<50x1000xf32>
    %dot_general3A_346 = tpu.matmul %add3A_344, %get3A_1, %dot_general3A_345 {dimension_numbers = #tpu.dot_dimension_numbers<[1], [0], [0], [1], [0, 0, 1, 1], [], []>, transpose_lhs_hint = false} : vector<50x32xf32>, vector<32x1000xf32>, vector<50x1000xf32> -> vector<50x1000xf32>
    %add3A_347 = vector.broadcast %get3A_4 : vector<1x1000xf32> to vector<50x1000xf32>
    %add3A_348 = arith.addf %dot_general3A_346, %add3A_347 : vector<50x1000xf32>
    %swap3A_349 = arith.constant 24 : index
    %swap3A_350 = arith.constant 0 : index
    %swap3A_351 = arith.constant 0 : index
    %swap3A_352 = vector.load %arg5[%swap3A_349, %swap3A_350, %swap3A_351] : memref<32x50x1000xf32, #tpu.memory_space<vmem>>, vector<1x50x1000xf32>
    %swap3A_353 = vector.shape_cast %swap3A_352 : vector<1x50x1000xf32> to vector<50x1000xf32>
    %swap3A_354 = vector.shape_cast %add3A_348 : vector<50x1000xf32> to vector<1x50x1000xf32>
    tpu.vector_store %arg5[%swap3A_349, %swap3A_350, %swap3A_351], %swap3A_354 {strides = array<i32>} : memref<32x50x1000xf32, #tpu.memory_space<vmem>>, vector<1x50x1000xf32>,
    %get3A_355 = arith.constant 1250 : index
    %get3A_356 = arith.constant 0 : index
    %get3A_357 = vector.load %arg1[%get3A_355, %get3A_356] : memref<1600x32xf32, #tpu.memory_space<vmem>>, vector<50x32xf32>
    %add3A_358 = arith.addf %get3A_357, %get3A_7 : vector<50x32xf32>
    %dot_general3A_359 = arith.constant dense<0.000000e+00> : vector<50x1000xf32>
    %dot_general3A_360 = tpu.matmul %add3A_358, %get3A_1, %dot_general3A_359 {dimension_numbers = #tpu.dot_dimension_numbers<[1], [0], [0], [1], [0, 0, 1, 1], [], []>, transpose_lhs_hint = false} : vector<50x32xf32>, vector<32x1000xf32>, vector<50x1000xf32> -> vector<50x1000xf32>
    %add3A_361 = vector.broadcast %get3A_4 : vector<1x1000xf32> to vector<50x1000xf32>
    %add3A_362 = arith.addf %dot_general3A_360, %add3A_361 : vector<50x1000xf32>
    %swap3A_363 = arith.constant 25 : index
    %swap3A_364 = arith.constant 0 : index
    %swap3A_365 = arith.constant 0 : index
    %swap3A_366 = vector.load %arg5[%swap3A_363, %swap3A_364, %swap3A_365] : memref<32x50x1000xf32, #tpu.memory_space<vmem>>, vector<1x50x1000xf32>
    %swap3A_367 = vector.shape_cast %swap3A_366 : vector<1x50x1000xf32> to vector<50x1000xf32>
    %swap3A_368 = vector.shape_cast %add3A_362 : vector<50x1000xf32> to vector<1x50x1000xf32>
    tpu.vector_store %arg5[%swap3A_363, %swap3A_364, %swap3A_365], %swap3A_368 {strides = array<i32>} : memref<32x50x1000xf32, #tpu.memory_space<vmem>>, vector<1x50x1000xf32>,
    %get3A_369 = arith.constant 1300 : index
    %get3A_370 = arith.constant 0 : index
    %get3A_371 = vector.load %arg1[%get3A_369, %get3A_370] : memref<1600x32xf32, #tpu.memory_space<vmem>>, vector<50x32xf32>
    %add3A_372 = arith.addf %get3A_371, %get3A_7 : vector<50x32xf32>
    %dot_general3A_373 = arith.constant dense<0.000000e+00> : vector<50x1000xf32>
    %dot_general3A_374 = tpu.matmul %add3A_372, %get3A_1, %dot_general3A_373 {dimension_numbers = #tpu.dot_dimension_numbers<[1], [0], [0], [1], [0, 0, 1, 1], [], []>, transpose_lhs_hint = false} : vector<50x32xf32>, vector<32x1000xf32>, vector<50x1000xf32> -> vector<50x1000xf32>
    %add3A_375 = vector.broadcast %get3A_4 : vector<1x1000xf32> to vector<50x1000xf32>
    %add3A_376 = arith.addf %dot_general3A_374, %add3A_375 : vector<50x1000xf32>
    %swap3A_377 = arith.constant 26 : index
    %swap3A_378 = arith.constant 0 : index
    %swap3A_379 = arith.constant 0 : index
    %swap3A_380 = vector.load %arg5[%swap3A_377, %swap3A_378, %swap3A_379] : memref<32x50x1000xf32, #tpu.memory_space<vmem>>, vector<1x50x1000xf32>
    %swap3A_381 = vector.shape_cast %swap3A_380 : vector<1x50x1000xf32> to vector<50x1000xf32>
    %swap3A_382 = vector.shape_cast %add3A_376 : vector<50x1000xf32> to vector<1x50x1000xf32>
    tpu.vector_store %arg5[%swap3A_377, %swap3A_378, %swap3A_379], %swap3A_382 {strides = array<i32>} : memref<32x50x1000xf32, #tpu.memory_space<vmem>>, vector<1x50x1000xf32>,
    %get3A_383 = arith.constant 1350 : index
    %get3A_384 = arith.constant 0 : index
    %get3A_385 = vector.load %arg1[%get3A_383, %get3A_384] : memref<1600x32xf32, #tpu.memory_space<vmem>>, vector<50x32xf32>
    %add3A_386 = arith.addf %get3A_385, %get3A_7 : vector<50x32xf32>
    %dot_general3A_387 = arith.constant dense<0.000000e+00> : vector<50x1000xf32>
    %dot_general3A_388 = tpu.matmul %add3A_386, %get3A_1, %dot_general3A_387 {dimension_numbers = #tpu.dot_dimension_numbers<[1], [0], [0], [1], [0, 0, 1, 1], [], []>, transpose_lhs_hint = false} : vector<50x32xf32>, vector<32x1000xf32>, vector<50x1000xf32> -> vector<50x1000xf32>
    %add3A_389 = vector.broadcast %get3A_4 : vector<1x1000xf32> to vector<50x1000xf32>
    %add3A_390 = arith.addf %dot_general3A_388, %add3A_389 : vector<50x1000xf32>
    %swap3A_391 = arith.constant 27 : index
    %swap3A_392 = arith.constant 0 : index
    %swap3A_393 = arith.constant 0 : index
    %swap3A_394 = vector.load %arg5[%swap3A_391, %swap3A_392, %swap3A_393] : memref<32x50x1000xf32, #tpu.memory_space<vmem>>, vector<1x50x1000xf32>
    %swap3A_395 = vector.shape_cast %swap3A_394 : vector<1x50x1000xf32> to vector<50x1000xf32>
    %swap3A_396 = vector.shape_cast %add3A_390 : vector<50x1000xf32> to vector<1x50x1000xf32>
    tpu.vector_store %arg5[%swap3A_391, %swap3A_392, %swap3A_393], %swap3A_396 {strides = array<i32>} : memref<32x50x1000xf32, #tpu.memory_space<vmem>>, vector<1x50x1000xf32>,
    %get3A_397 = arith.constant 1400 : index
    %get3A_398 = arith.constant 0 : index
    %get3A_399 = vector.load %arg1[%get3A_397, %get3A_398] : memref<1600x32xf32, #tpu.memory_space<vmem>>, vector<50x32xf32>
    %add3A_400 = arith.addf %get3A_399, %get3A_7 : vector<50x32xf32>
    %dot_general3A_401 = arith.constant dense<0.000000e+00> : vector<50x1000xf32>
    %dot_general3A_402 = tpu.matmul %add3A_400, %get3A_1, %dot_general3A_401 {dimension_numbers = #tpu.dot_dimension_numbers<[1], [0], [0], [1], [0, 0, 1, 1], [], []>, transpose_lhs_hint = false} : vector<50x32xf32>, vector<32x1000xf32>, vector<50x1000xf32> -> vector<50x1000xf32>
    %add3A_403 = vector.broadcast %get3A_4 : vector<1x1000xf32> to vector<50x1000xf32>
    %add3A_404 = arith.addf %dot_general3A_402, %add3A_403 : vector<50x1000xf32>
    %swap3A_405 = arith.constant 28 : index
    %swap3A_406 = arith.constant 0 : index
    %swap3A_407 = arith.constant 0 : index
    %swap3A_408 = vector.load %arg5[%swap3A_405, %swap3A_406, %swap3A_407] : memref<32x50x1000xf32, #tpu.memory_space<vmem>>, vector<1x50x1000xf32>
    %swap3A_409 = vector.shape_cast %swap3A_408 : vector<1x50x1000xf32> to vector<50x1000xf32>
    %swap3A_410 = vector.shape_cast %add3A_404 : vector<50x1000xf32> to vector<1x50x1000xf32>
    tpu.vector_store %arg5[%swap3A_405, %swap3A_406, %swap3A_407], %swap3A_410 {strides = array<i32>} : memref<32x50x1000xf32, #tpu.memory_space<vmem>>, vector<1x50x1000xf32>,
    %get3A_411 = arith.constant 1450 : index
    %get3A_412 = arith.constant 0 : index
    %get3A_413 = vector.load %arg1[%get3A_411, %get3A_412] : memref<1600x32xf32, #tpu.memory_space<vmem>>, vector<50x32xf32>
    %add3A_414 = arith.addf %get3A_413, %get3A_7 : vector<50x32xf32>
    %dot_general3A_415 = arith.constant dense<0.000000e+00> : vector<50x1000xf32>
    %dot_general3A_416 = tpu.matmul %add3A_414, %get3A_1, %dot_general3A_415 {dimension_numbers = #tpu.dot_dimension_numbers<[1], [0], [0], [1], [0, 0, 1, 1], [], []>, transpose_lhs_hint = false} : vector<50x32xf32>, vector<32x1000xf32>, vector<50x1000xf32> -> vector<50x1000xf32>
    %add3A_417 = vector.broadcast %get3A_4 : vector<1x1000xf32> to vector<50x1000xf32>
    %add3A_418 = arith.addf %dot_general3A_416, %add3A_417 : vector<50x1000xf32>
    %swap3A_419 = arith.constant 29 : index
    %swap3A_420 = arith.constant 0 : index
    %swap3A_421 = arith.constant 0 : index
    %swap3A_422 = vector.load %arg5[%swap3A_419, %swap3A_420, %swap3A_421] : memref<32x50x1000xf32, #tpu.memory_space<vmem>>, vector<1x50x1000xf32>
    %swap3A_423 = vector.shape_cast %swap3A_422 : vector<1x50x1000xf32> to vector<50x1000xf32>
    %swap3A_424 = vector.shape_cast %add3A_418 : vector<50x1000xf32> to vector<1x50x1000xf32>
    tpu.vector_store %arg5[%swap3A_419, %swap3A_420, %swap3A_421], %swap3A_424 {strides = array<i32>} : memref<32x50x1000xf32, #tpu.memory_space<vmem>>, vector<1x50x1000xf32>,
    %get3A_425 = arith.constant 1500 : index
    %get3A_426 = arith.constant 0 : index
    %get3A_427 = vector.load %arg1[%get3A_425, %get3A_426] : memref<1600x32xf32, #tpu.memory_space<vmem>>, vector<50x32xf32>
    %add3A_428 = arith.addf %get3A_427, %get3A_7 : vector<50x32xf32>
    %dot_general3A_429 = arith.constant dense<0.000000e+00> : vector<50x1000xf32>
    %dot_general3A_430 = tpu.matmul %add3A_428, %get3A_1, %dot_general3A_429 {dimension_numbers = #tpu.dot_dimension_numbers<[1], [0], [0], [1], [0, 0, 1, 1], [], []>, transpose_lhs_hint = false} : vector<50x32xf32>, vector<32x1000xf32>, vector<50x1000xf32> -> vector<50x1000xf32>
    %add3A_431 = vector.broadcast %get3A_4 : vector<1x1000xf32> to vector<50x1000xf32>
    %add3A_432 = arith.addf %dot_general3A_430, %add3A_431 : vector<50x1000xf32>
    %swap3A_433 = arith.constant 30 : index
    %swap3A_434 = arith.constant 0 : index
    %swap3A_435 = arith.constant 0 : index
    %swap3A_436 = vector.load %arg5[%swap3A_433, %swap3A_434, %swap3A_435] : memref<32x50x1000xf32, #tpu.memory_space<vmem>>, vector<1x50x1000xf32>
    %swap3A_437 = vector.shape_cast %swap3A_436 : vector<1x50x1000xf32> to vector<50x1000xf32>
    %swap3A_438 = vector.shape_cast %add3A_432 : vector<50x1000xf32> to vector<1x50x1000xf32>
    tpu.vector_store %arg5[%swap3A_433, %swap3A_434, %swap3A_435], %swap3A_438 {strides = array<i32>} : memref<32x50x1000xf32, #tpu.memory_space<vmem>>, vector<1x50x1000xf32>,
    %get3A_439 = arith.constant 1550 : index
    %get3A_440 = arith.constant 0 : index
    %get3A_441 = vector.load %arg1[%get3A_439, %get3A_440] : memref<1600x32xf32, #tpu.memory_space<vmem>>, vector<50x32xf32>
    %add3A_442 = arith.addf %get3A_441, %get3A_7 : vector<50x32xf32>
    %dot_general3A_443 = arith.constant dense<0.000000e+00> : vector<50x1000xf32>
    %dot_general3A_444 = tpu.matmul %add3A_442, %get3A_1, %dot_general3A_443 {dimension_numbers = #tpu.dot_dimension_numbers<[1], [0], [0], [1], [0, 0, 1, 1], [], []>, transpose_lhs_hint = false} : vector<50x32xf32>, vector<32x1000xf32>, vector<50x1000xf32> -> vector<50x1000xf32>
    %add3A_445 = vector.broadcast %get3A_4 : vector<1x1000xf32> to vector<50x1000xf32>
    %add3A_446 = arith.addf %dot_general3A_444, %add3A_445 : vector<50x1000xf32>
    %swap3A_447 = arith.constant 31 : index
    %swap3A_448 = arith.constant 0 : index
    %swap3A_449 = arith.constant 0 : index
    %swap3A_450 = vector.load %arg5[%swap3A_447, %swap3A_448, %swap3A_449] : memref<32x50x1000xf32, #tpu.memory_space<vmem>>, vector<1x50x1000xf32>
    %swap3A_451 = vector.shape_cast %swap3A_450 : vector<1x50x1000xf32> to vector<50x1000xf32>
    %swap3A_452 = vector.shape_cast %add3A_446 : vector<50x1000xf32> to vector<1x50x1000xf32>
    tpu.vector_store %arg5[%swap3A_447, %swap3A_448, %swap3A_449], %swap3A_452 {strides = array<i32>} : memref<32x50x1000xf32, #tpu.memory_space<vmem>>, vector<1x50x1000xf32>,
    return
  }
  func.func @transform_0(%arg0: i32) -> (i32, i32) {
    %c0_i32 = arith.constant 0 : i32
    %c0_i32_0 = arith.constant 0 : i32
    return %arg0, %c0_i32 : i32, i32
  }
  func.func @transform_1(%arg0: i32) -> (i32, i32) {
    %c0_i32 = arith.constant 0 : i32
    %c0_i32_0 = arith.constant 0 : i32
    %c0_i32_1 = arith.constant 0 : i32
    return %c0_i32, %c0_i32_0 : i32, i32
  }
  func.func @transform_2(%arg0: i32) -> (i32, i32) {
    %c0_i32 = arith.constant 0 : i32
    %c0_i32_0 = arith.constant 0 : i32
    %c0_i32_1 = arith.constant 0 : i32
    return %c0_i32, %c0_i32_0 : i32, i32
  }
  func.func @transform_3(%arg0: i32) -> (i32, i32) {
    %c0_i32 = arith.constant 0 : i32
    %c0_i32_0 = arith.constant 0 : i32
    %c0_i32_1 = arith.constant 0 : i32
    return %c0_i32, %c0_i32_0 : i32, i32
  }
  func.func @transform_4(%arg0: i32) -> (i32, i32, i32) {
    %c0_i32 = arith.constant 0 : i32
    %c0_i32_0 = arith.constant 0 : i32
    %c0_i32_1 = arith.constant 0 : i32
    return %arg0, %c0_i32, %c0_i32_0 : i32, i32, i32
  }
}

</mosaic_0001>

<sc_bundles>
// kernel: kernel.4.cloned.1.call-start
scs
__scs_entry_jumppad:
0x0: {  	(pc) =	sbr.rel $0x88, $3  }
0x1: {  	(tag) =	ssettag $0x0;
	lr =	simm.s32 $0x1  }
0x2: {  	[smem:$0x3F9C] =	sst lr;
	_ =	strace $0xD0000000  }
0x3: {  	_ = 	snop  }
0x4: {  	_ = 	snop  }
0x5: {  	_ = 	snop  }
0x6: {  	_ = 	snop  }
0x7: {  	_ = 	snop  }
__scs_overlays_trampoline_lowered:
0x8: {  	[smem:$0x3FAB] =	sst s0  }
0x9: {  	[smem:$0x3FAC] =	sst s1  }
0xa: {  	[smem:$0x3FAD] =	sst s2  }
0xb: {  	[smem:$0x3FAE] =	sst s3  }
0xc: {  	[smem:$0x3FAF] =	sst s4  }
0xd: {  	[smem:$0x3FB0] =	sst s5  }
0xe: {  	[smem:$0x3FB1] =	sst s6  }
0xf: {  	[smem:$0x3FB2] =	sst s7  }
0x10: {  	[smem:$0x3FB3] =	sst s8  }
0x11: {  	[smem:$0x3FB4] =	sst s9;
	s0 =	simm.s32 @!p0 $0x0  }
0x12: {  	s1 =	sld [smem:$0x3F9A];
	s0 =	simm.s32 @p0 $0x1  }
0x13: {  	[smem:$0x3FB5] =	sst s0;
	s0 =	simm.s32 @!p1 $0x0  }
0x14: {  	s2 =	sld [smem:$0x3F99];
	s0 =	simm.s32 @p1 $0x1  }
0x15: {  	[smem:$0x3FB6] =	sst s0;
	s0 =	simm.s32 @!p2 $0x0  }
0x16: {  	s3 =	sld [smem:$0x3FDB];
	s0 =	simm.s32 @p2 $0x1  }
0x17: {  	s4 =	simm.s32 $0x1BF5;
	[smem:$0x3FB8] =	sst s0  }
0x18: {  	s0 =	sld [smem:$0x3F9B];
	_ =	swait.ge [sflag:s4], $0x0  }
0x19: {  	s7 =	sld [smem:$0x3F9C]  }
0x1a: {  	s8 =	sadd.s32 $0xFFFFE003, lr  }
0x1b: {  	s9 =	sadd.s32 $0xFFFFFEF7, lr;
	s5 =	simm.s32 $0xFFFFFFFF;
	p2 =	slt.u32 s8, $0xFFFFF086  }
0x1c: {  	p1 =	slt.u32 s9, $0xF7A;
	s5 =	simm.s32 @!p2 $0x0  }
0x1d: {  	s5 =	simm.s32 @p1 $0x1;
	p0 =	seq.s32 s7, s2  }
0x1e: {  	s7 =	smul.u32 @!p0 $0xF7A, s2;
	p2 =	seq.s32 @!p0 s5, $0x0  }
0x1f: {  	s9 =	smul.u32 $0xF7A, s1;
	s8 =	simm.s32 @!p0 $0x1BF5;
	p2 =	por !p2, p0  }
0x20: {  	[sflag:s8] =	ssyncset.s32 @!p0 $0xFFFFF086;
	s6 =	sadd.s32 @!p0 s3, s7;
	s7 =	simm.s32 @!p0 $0x108  }
0x21: {  	s3 =	sadd.s32 s3, s9;
	s6 =	sadd.s32 @!p0 $0x88, s6;
	s7 =	simm.s32 @p2 $0x1082  }
0x22: {  	[simem:s7], [sflag:s8] =	dma.local @!p0 [hbm:s6], $0xF7A  }
0x23: {  	s9 =	sor.u32 $0xD0000000, s2;
	s6 =	simm.s32 $0x108;
	_ =	swait.ge @!p0 [sflag:s8], $0x0  }
0x24: {  	s3 =	sadd.s32 $0x88, s3;
	s6 =	simm.s32 @!p1 $0x1082;
	[sflag:s4] =	ssyncset.s32 $0xFFFFF086  }
0x25: {  	[simem:s6], [sflag:s4] =	dma.local [hbm:s3], $0xF7A  }
0x26: {  	[smem:$0x3F9C] =	sst s1;
	(tag) =	ssettag s2;
	_ =	strace s9  }
0x27: {  	s1 =	sld [smem:$0x3FAC]  }
0x28: {  	s2 =	sld [smem:$0x3FAD]  }
0x29: {  	s4 =	sld [smem:$0x3FAF]  }
0x2a: {  	p0 =	seq.s32 s5, $0x0;
	s5 =	sld [smem:$0x3FB0]  }
0x2b: {  	s6 =	sld [smem:$0x3FB1]  }
0x2c: {  	s7 =	sld [smem:$0x3FB2]  }
0x2d: {  	s3 =	simm.s32 $0x108;
	s8 =	sld [smem:$0x3FB3]  }
0x2e: {  	s3 =	simm.s32 @!p0 $0x1082;
	s9 =	sld [smem:$0x3FB4]  }
0x2f: {  	lr =	sadd.s32 s0, s3;
	s0 =	sld [smem:$0x3FAB]  }
0x30: {  	s3 =	sld [smem:$0x3FAE]  }
0x31: {  	[smem:$0x3FB7] =	sst s10  }
0x32: {  	s10 =	sld [smem:$0x3FB5];
	_ =	sdelay $0x3  }
0x33: {  	p0 =	seq.s32 s10, $0x1;
	s10 =	sld [smem:$0x3FB7];
	_ =	sdelay $0x3  }
0x34: {  	[smem:$0x3FB7] =	sst s10  }
0x35: {  	s10 =	sld [smem:$0x3FB6];
	_ =	sdelay $0x3  }
0x36: {  	p1 =	seq.s32 s10, $0x1;
	s10 =	sld [smem:$0x3FB7];
	_ =	sdelay $0x3  }
0x37: {  	[smem:$0x3FB7] =	sst s10  }
0x38: {  	s10 =	sld [smem:$0x3FB8]  }
0x39: {  	_ = 	snop;
	(pc) =	sbr.ind lr, $3  }
0x3a: {  	_ = 	snop  }
0x3b: {  	_ = 	snop  }
0x3c: {  	p2 =	seq.s32 s10, $0x1;
	s10 =	sld [smem:$0x3FB7]  }
0x3d: {  	_ =	shalt  }
0x3e: {  	_ =	shalt  }
0x3f: {  	_ =	shalt  }
0x40: {  	_ =	shalt  }
0x41: {  	_ =	shalt  }
0x42: {  	_ =	shalt  }
0x43: {  	_ =	shalt  }
0x44: {  	_ =	shalt  }
0x45: {  	_ =	shalt  }
0x46: {  	_ =	shalt  }
0x47: {  	_ =	shalt  }
0x48: {  	_ =	shalt  }
0x49: {  	_ =	shalt  }
0x4a: {  	_ =	shalt  }
0x4b: {  	_ =	shalt  }
0x4c: {  	_ =	shalt  }
0x4d: {  	_ =	shalt  }
0x4e: {  	_ =	shalt  }
0x4f: {  	_ =	shalt  }
0x50: {  	_ =	shalt  }
0x51: {  	_ =	shalt  }
0x52: {  	_ =	shalt  }
0x53: {  	_ =	shalt  }
0x54: {  	_ =	shalt  }
0x55: {  	_ =	shalt  }
0x56: {  	_ =	shalt  }
0x57: {  	_ =	shalt  }
0x58: {  	_ =	shalt  }
0x59: {  	_ =	shalt  }
0x5a: {  	_ =	shalt  }
0x5b: {  	_ =	shalt  }
0x5c: {  	_ =	shalt  }
0x5d: {  	_ =	shalt  }
0x5e: {  	_ =	shalt  }
0x5f: {  	_ =	shalt  }
0x60: {  	_ =	shalt  }
0x61: {  	_ =	shalt  }
0x62: {  	_ =	shalt  }
0x63: {  	_ =	shalt  }
0x64: {  	_ =	shalt  }
0x65: {  	_ =	shalt  }
0x66: {  	_ =	shalt  }
0x67: {  	_ =	shalt  }
0x68: {  	_ =	shalt  }
0x69: {  	_ =	shalt  }
0x6a: {  	_ =	shalt  }
0x6b: {  	_ =	shalt  }
0x6c: {  	_ =	shalt  }
0x6d: {  	_ =	shalt  }
0x6e: {  	_ =	shalt  }
0x6f: {  	_ =	shalt  }
0x70: {  	_ =	shalt  }
0x71: {  	_ =	shalt  }
0x72: {  	_ =	shalt  }
0x73: {  	_ =	shalt  }
0x74: {  	_ =	shalt  }
0x75: {  	_ =	shalt  }
0x76: {  	_ =	shalt  }
0x77: {  	_ =	shalt  }
0x78: {  	_ =	shalt  }
0x79: {  	_ =	shalt  }
0x7a: {  	_ =	shalt  }
0x7b: {  	_ =	shalt  }
0x7c: {  	_ =	shalt  }
0x7d: {  	_ =	shalt  }
0x7e: {  	_ =	shalt  }
0x7f: {  	_ =	shalt  }
0x80: {  	_ =	shalt  }
0x81: {  	_ =	shalt  }
0x82: {  	_ =	shalt  }
0x83: {  	_ =	shalt  }
0x84: {  	_ =	shalt  }
0x85: {  	_ =	shalt  }
0x86: {  	_ =	shalt  }
0x87: {  	_ =	shalt  }
.Lfunc_end0:
.L_simem_size_0:
called_computation_lowered:
.L_overlay_start_0:
0x88: {  	s2 =	sld [smem:$0x3FD9]  }
0x89: {  	s3 =	sld [smem:$0x3FFE];
	_ =	sdelay $0x1  }
0x8a: {  	s1 =	srdreg.scid  }
0x8b: {  	s0 =	sand.u32 $0x1, s1  }
0x8c: {  	s17 =	sshll.u32 s0, $0xA;
	s2 =	sadd.s32 s3, s2  }
0x8d: {  	s2 =	sadd.s32 s2, s17  }
0x8e: {  	[smem:$0x3FC3] =	sst s2  }
0x8f: {  	_ = 	snop  }
0x90: {  	s2 =	sld [smem:$0x3FD0];
	(tm) =	ssettm $0x1  }
0x91: {  	s18 =	sld [smem:$0x3FFB];
	_ =	sdelay $0x3  }
0x92: {  	_ =	strace s18  }
0x93: {  	s3 =	sld [smem:$0x3FFC];
	_ =	sdelay $0x3  }
0x94: {  	_ =	strace s3  }
0x95: {  	s3 =	sld [smem:$0x3FFD];
	_ =	sdelay $0x3  }
0x96: {  	_ =	strace s3  }
0x97: {  	_ =	strace $0x8FFFFFFF  }
0x98: {  	s19 =	sld [smem:$0x3FDB];
	_ =	sdelay $0x1  }
0x99: {  	s4 =	simm.s32 $_scs_section_size  }
0x9a: {  	s5 =	simm.s32 $_size__tile_overlayer_lowered;
	s6 =	simm.s32 $_tile_overlayer_lowered  }
0x9b: {  	s22 =	simm.s32 $0x1BFF;
	s21 =	sshll.u32 s6, $0x1;
	s3 =	sadd.s32 s4, s19  }
0x9c: {  	s7 =	simm.s32 $0x0;
	s20 =	sshll.u32 s5, $0x1;
	s5 =	sadd.s32 s21, s3  }
0x9d: {  	[timem:s7], [sflag:s22] =	dma.local [hbm:s5], s20  }
0x9e: {  	_ =	swait.ge [sflag:s22], s20  }
0x9f: {  	s4 =	ssub.s32 $0x0, s20;
	[sflag:s22] =	ssyncset.done $0x0  }
0xa0: {  	[sflag:s22] =	ssyncadd.s32 s4;
	_ =	sdelay $0x1  }
0xa1: {  	s23 =	simm.s32 $0x1B8B  }
0xa2: {  	_ =	swait.ge [sflag:s23], $0x1  }
0xa3: {  	[sflag:s23] =	ssyncset.done $0x0  }
0xa4: {  	s25 =	simm.s32 $0x1B8E;
	s24 =	sld [smem:$0x3FFE];
	[sflag:s23] =	ssyncadd.s32 $0xFFFFFFFF  }
0xa5: {  	s26 =	simm.s32 $execute0_lowered;
	[smem:$0x3FD2] =	sst s25  }
0xa6: {  	s5 =	sshll.u32 s26, $0x1;
	_ =	strace $0x80000046;
	[dreg:$0x1] =	wrdreg $0xFFFFFFFF  }
0xa7: {  	s28 =	simm.s32 $_size_execute0_lowered;
	s3 =	sadd.s32 s3, s5;
	[dreg:$0x0] =	wrdreg $0x0  }
0xa8: {  	s5 =	sshll.u32 s28, $0x1;
	[dreg:$0x2] =	wrdreg s3  }
0xa9: {  	[dreg:$0x3] =	wrdreg s5  }
0xaa: {  	[dreg:$0x4] =	wrdreg $0xC0  }
0xab: {  	_ =	task [dreg:s7], $0x5FFFF  }
0xac: {  	[dreg:$0x1] =	wrdreg $0xFFFFFFFF  }
0xad: {  	[dreg:$0x0] =	wrdreg $0x60  }
0xae: {  	[dreg:$0x2] =	wrdreg s2  }
0xaf: {  	[dreg:$0x3] =	wrdreg s24  }
0xb0: {  	[dreg:$0x4] =	wrdreg $0x9  }
0xb1: {  	_ =	task.clear_ibuf [dreg:s7], $0x5FFFF;
	_ =	strace $0x90000046  }
0xb2: {  	s29 =	simm.s32 $0x9;
	_ =	strace $0x80000048  }
0xb3: {  	_ =	swait.ge [sflag:s29], $0x1  }
0xb4: {  	[sflag:s29] =	ssyncadd.s32 $0xFFFFFFFF  }
0xb5: {  	_ =	strace $0x90000048  }
0xb6: {  	_ =	sfence  }
0xb7: {  	s30 =	sld [smem:$0x0];
	_ =	sdelay $0x2  }
0xb8: {  	s31 =	sshll.u32 s1, $0xD;
	s1 =	sshrl.u32 s1, $0x2  }
0xb9: {  	s3 =	sand.u32 $0x4000, s31;
	s1 =	sadd.s32 s1, s30  }
0xba: {  	s0 =	sor.u32 s3, s0;
	s1 =	sshll.u32 s1, $0x11  }
0xbb: {  	s0 =	sor.u32 s1, s0  }
0xbc: {  	s0 =	sadd.s32 $0x8F2B, s0  }
0xbd: {  	[sflag:s0] =	ssyncadd.remote.s32 $0x1  }
0xbe: {  	_ =	sfence.sel $0xFFFF  }
0xbf: {  	[dreg:$0x0] =	wrdreg $0xFFFFFFFF;
	(pc) =	sbr.abs _section_cstart, $3  }
0xc0: {  	[dreg:$0x1] =	wrdreg $0xFFFFFFFF  }
0xc1: {  	_ =	task.clear_ibuf [dreg:s7], $0x2FFFF;
	_ =	strace $0x9FFFFFFF  }
0xc2: {  	(tm) =	ssettm $0x7FFFFFFF  }
0xc3: {  	_ =	shalt  }
tec
execute0_lowered:
.L_overlay_start_1:
0x0: {  	(tag) =	ssettag $0x1  }
0x1: {  	s1 =	srdreg.scid;
	s0 =	stileid.u32  }
0x2: {  	s3 =	rddreg [dreg:$0x0];
	s18 =	sand.u32 $0x1, s1;
	s30 =	sshll.u32 s0, $0x1  }
0x3: {  	s9 =	rddreg [dreg:$0x1];
	s10 =	sor.u32 s18, s30  }
0x4: {  	s2 =	simm.s32 $0x0;
	s1 =	rddreg [dreg:$0x2];
	s4 =	smul.u32 $0x320, s10  }
0x5: {  	[smem:$0x7FF] =	sst s2  }
0x6: {  	_ =	strace $0x80000047;
	s3 =	sadd.s32 s3, s4;
	s4 =	simm.s32 $0x5  }
0x7: {  	[tilespmem:s2], [sflag:$0x5] =	stream.linear.gather [hbm4b:s3+s2], $0x1900, $0x38;
	[tilespmem:$0x1A900] =	vst v63  }
0x8: {  	_ =	swait.ge [sflag:s4], $0x1900  }
0x9: {  	s6 =	simm.s32 $0x640;
	s7 =	simm.s32 $0x1900;
	[sflag:s4] =	ssyncset.done $0x0  }
0xa: {  	s8 =	simm.s32 $0x1;
	s5 =	sadd.s32 $0xA00, s9;
	[sflag:s4] =	ssyncadd.s32 $0xFFFFE700  }
0xb: {  	[tilespmem:s7], [sflag:$0x1] =	stream.indirect.gather [hbm4b:s5+s6], $0x20, s2, s6, $0xb8;
	[tilespmem:$0x1A900] =	vst v63  }
0xc: {  	s11 =	smul.u32 $0x6400, s10;
	_ =	swait.ge [sflag:s8], $0xC800  }
0xd: {  	s12 =	sadd.s32 $0x1A00, s9;
	[sflag:s8] =	ssyncset.done $0x0  }
0xe: {  	s9 =	sadd.s32 s12, s11;
	[sflag:s8] =	ssyncadd.s32 $0xFFFF3800  }
0xf: {  	[hbm4b:s9+s2] =	stream.linear.scatter [tilespmem:s7], [sflag:$0x3], $0xC800, $0x38;
	[tilespmem:$0x1A900] =	vst v63  }
0x10: {  	s13 =	smul.u32 $0x32000, s10;
	s10 =	simm.s32 $0xE100;
	s11 =	simm.s32 $0x2  }
0x11: {  	[tilespmem:s10], [sflag:$0x2] =	stream.indirect.gather [hbm4b:s5+s6], $0x20, s6, s6, $0xb8;
	[tilespmem:$0x1A900] =	vst v63  }
0x12: {  	s13 =	sshrl.u32 s13, $0x3;
	_ =	swait.ge [sflag:s11], $0xC800  }
0x13: {  	s19 =	sadd.s32 s12, s13;
	[sflag:s11] =	ssyncset.done $0x0  }
0x14: {  	s12 =	simm.s32 $0x3;
	s13 =	sadd.s32 $0x1900, s19;
	[sflag:s11] =	ssyncadd.s32 $0xFFFF3800  }
0x15: {  	[hbm4b:s13+s2] =	stream.linear.scatter [tilespmem:s10], [sflag:$0x4], $0xC800, $0x38;
	[tilespmem:$0x1A900] =	vst v63  }
0x16: {  	_ =	swait.ge [sflag:s12], $0xC800  }
0x17: {  	[sflag:s12] =	ssyncset.done $0x0  }
0x18: {  	s14 =	simm.s32 $0xC80;
	[sflag:s12] =	ssyncadd.s32 $0xFFFF3800  }
0x19: {  	[tilespmem:s7], [sflag:$0x1] =	stream.indirect.gather [hbm4b:s5+s6], $0x20, s14, s6, $0xb8;
	[tilespmem:$0x1A900] =	vst v63  }
0x1a: {  	_ =	swait.ge [sflag:s8], $0xC800  }
0x1b: {  	[sflag:s8] =	ssyncset.done $0x0  }
0x1c: {  	s16 =	simm.s32 $0x4;
	s15 =	sadd.s32 $0x3200, s19;
	[sflag:s8] =	ssyncadd.s32 $0xFFFF3800  }
0x1d: {  	[hbm4b:s15+s2] =	stream.linear.scatter [tilespmem:s7], [sflag:$0x3], $0xC800, $0x38;
	[tilespmem:$0x1A900] =	vst v63  }
0x1e: {  	_ =	swait.ge [sflag:s16], $0xC800  }
0x1f: {  	s20 =	ssub.s32 $0x2, s18;
	[sflag:s16] =	ssyncset.done $0x0  }
0x20: {  	s17 =	simm.s32 $0x12C0;
	s31 =	sshrl.u32 s20, $0x1;
	[sflag:s16] =	ssyncadd.s32 $0xFFFF3800  }
0x21: {  	[tilespmem:s10], [sflag:$0x2] =	stream.indirect.gather [hbm4b:s5+s6], $0x20, s17, s6, $0xb8;
	[tilespmem:$0x1A900] =	vst v63  }
0x22: {  	s18 =	sadd.s32 $0x4B00, s19;
	s19 =	ssub.s32 s20, s31;
	_ =	swait.ge [sflag:s11], $0xC800  }
0x23: {  	s19 =	smax.u32 s19, $0x1;
	[sflag:s11] =	ssyncset.done $0x0  }
0x24: {  	p0 =	sne.s32 s19, $0x1;
	[sflag:s11] =	ssyncadd.s32 $0xFFFF3800  }
0x25: {  	[hbm4b:s18+s2] =	stream.linear.scatter [tilespmem:s10], [sflag:$0x4], $0xC800, $0x38;
	[tilespmem:$0x1A900] =	vst v63  }
.Ltmp0:
0x26: {  	_ =	swait.ge [sflag:s16], $0xC800;
	(pc) =	sbr.rel @!p0 .LBB2_2-.Ltmp0, $4  }
0x27: {  	[sflag:s16] =	ssyncset.done $0x0  }
0x28: {  	[sflag:s16] =	ssyncadd.s32 $0xFFFF3800  }
0x29: {  	_ =	swait.ge [sflag:s12], $0xC800  }
0x2a: {  	s19 =	sadd.s32 $0xFFFFFFFF, s19;
	[sflag:s12] =	ssyncset.done $0x0  }
.LBB2_1:
0x2b: {  	p0 =	sne.s32 s19, $0x1;
	s19 =	sadd.s32 $0xFFFFFFFF, s19;
	[sflag:s12] =	ssyncadd.s32 $0xFFFF3800  }
0x2c: {  	[tilespmem:s2], [sflag:$0x5] =	stream.linear.gather [hbm4b:s3+s2], $0x1900, $0x38;
	[tilespmem:$0x1A900] =	vst v63  }
0x2d: {  	_ =	swait.ge [sflag:s4], $0x1900  }
0x2e: {  	[sflag:s4] =	ssyncset.done $0x0  }
0x2f: {  	[sflag:s4] =	ssyncadd.s32 $0xFFFFE700  }
0x30: {  	[tilespmem:s7], [sflag:$0x1] =	stream.indirect.gather [hbm4b:s5+s6], $0x20, s2, s6, $0xb8;
	[tilespmem:$0x1A900] =	vst v63  }
0x31: {  	_ =	swait.ge [sflag:s8], $0xC800  }
0x32: {  	[sflag:s8] =	ssyncset.done $0x0  }
0x33: {  	[sflag:s8] =	ssyncadd.s32 $0xFFFF3800  }
0x34: {  	[hbm4b:s9+s2] =	stream.linear.scatter [tilespmem:s7], [sflag:$0x3], $0xC800, $0x38;
	[tilespmem:$0x1A900] =	vst v63  }
0x35: {  	_ = 	snop  }
0x36: {  	[tilespmem:s10], [sflag:$0x2] =	stream.indirect.gather [hbm4b:s5+s6], $0x20, s6, s6, $0xb8;
	[tilespmem:$0x1A900] =	vst v63  }
0x37: {  	_ =	swait.ge [sflag:s11], $0xC800  }
0x38: {  	[sflag:s11] =	ssyncset.done $0x0  }
0x39: {  	[sflag:s11] =	ssyncadd.s32 $0xFFFF3800  }
0x3a: {  	[hbm4b:s13+s2] =	stream.linear.scatter [tilespmem:s10], [sflag:$0x4], $0xC800, $0x38;
	[tilespmem:$0x1A900] =	vst v63  }
0x3b: {  	_ =	swait.ge [sflag:s12], $0xC800  }
0x3c: {  	[sflag:s12] =	ssyncset.done $0x0  }
0x3d: {  	[sflag:s12] =	ssyncadd.s32 $0xFFFF3800  }
0x3e: {  	[tilespmem:s7], [sflag:$0x1] =	stream.indirect.gather [hbm4b:s5+s6], $0x20, s14, s6, $0xb8;
	[tilespmem:$0x1A900] =	vst v63  }
0x3f: {  	_ =	swait.ge [sflag:s8], $0xC800  }
0x40: {  	[sflag:s8] =	ssyncset.done $0x0  }
0x41: {  	[sflag:s8] =	ssyncadd.s32 $0xFFFF3800  }
0x42: {  	[hbm4b:s15+s2] =	stream.linear.scatter [tilespmem:s7], [sflag:$0x3], $0xC800, $0x38;
	[tilespmem:$0x1A900] =	vst v63  }
0x43: {  	_ =	swait.ge [sflag:s16], $0xC800  }
0x44: {  	[sflag:s16] =	ssyncset.done $0x0  }
0x45: {  	[sflag:s16] =	ssyncadd.s32 $0xFFFF3800  }
0x46: {  	[tilespmem:s10], [sflag:$0x2] =	stream.indirect.gather [hbm4b:s5+s6], $0x20, s17, s6, $0xb8;
	[tilespmem:$0x1A900] =	vst v63  }
0x47: {  	_ =	swait.ge [sflag:s11], $0xC800  }
0x48: {  	[sflag:s11] =	ssyncset.done $0x0  }
0x49: {  	[sflag:s11] =	ssyncadd.s32 $0xFFFF3800  }
0x4a: {  	[hbm4b:s18+s2] =	stream.linear.scatter [tilespmem:s10], [sflag:$0x4], $0xC800, $0x38;
	[tilespmem:$0x1A900] =	vst v63  }
.Ltmp1:
0x4b: {  	_ =	swait.ge [sflag:s16], $0xC800;
	(pc) =	sbr.rel @p0 .LBB2_1-.Ltmp1, $4  }
0x4c: {  	[sflag:s16] =	ssyncset.done $0x0  }
0x4d: {  	[sflag:s16] =	ssyncadd.s32 $0xFFFF3800  }
0x4e: {  	_ =	swait.ge [sflag:s12], $0xC800  }
0x4f: {  	[sflag:s12] =	ssyncset.done $0x0  }
.LBB2_2:
0x50: {  	[sflag:s12] =	ssyncadd.s32 $0xFFFF3800  }
0x51: {  	_ =	sfence.sel $0x180000  }
0x52: {  	[bflag:$0x0] =	sbarrier.arrive $0xFFFF  }
0x53: {  	p0 =	sne.s32 s0, $0x0;
	_ =	strace $0x90000047  }
0x54: {  	s0 =	sadd.s32 @!p0 $0x100000, s1;
	[bflag:$0x2] =	sbarrier.arrive $0xFFFF  }
0x55: {  	[sflag:s0] =	ssyncadd.tile.s32 @!p0 $0x1;
	_ =	shalt  }
.Lfunc_end2:
_tile_overlayer_lowered:
.L_overlay_start_2:
0x56: {  	(tag) =	ssettag $0x2  }
0x57: {  	s0 =	rddreg [dreg:$0x0];
	s2 =	stileid.u32  }
0x58: {  	s1 =	rddreg [dreg:$0x1];
	p0 =	sne.s32 s2, $0x0  }
0x59: {  	s3 =	rddreg [dreg:$0x2];
	[bflag:$0x3] =	sbarrier.arrive $0xFFFF;
	s2 =	simm.s32 @!p0 $0x1C05  }
0x5a: {  	[timem:s3], [sflag:s2] =	dma.local @!p0 [hbm:s0], s1  }
0x5b: {  	s0 =	simm.s32 @!p0 $0x5  }
0x5c: {  	_ =	swait.ge @!p0 [sflag:s0], s1  }
0x5d: {  	s1 =	ssub.s32 @!p0 $0x0, s1;
	[sflag:s0] =	ssyncset.done @!p0 $0x0  }
0x5e: {  	[sflag:s0] =	ssyncadd.s32 @!p0 s1  }
0x5f: {  	[bflag:$0x3] =	sbarrier.arrive $0xFFFF  }
0x60: {  	_ =	shalt  }

</sc_bundles>
